<compile_context>
chip_gen: v7x
topology: tpu7x:2x2x1
jax: 0.10.2.dev20260603
libtpu: 0.0.44.dev20260713+nightly
codegen_flags: <defaults>
</compile_context>

<pallas_src>
import functools

import jax
import jax.numpy as jnp
from jax import lax
from jax.experimental import pallas as pl
from jax.experimental.pallas import tpu as pltpu
from jax.experimental.pallas import tpu_sc as plsc

G = 16
K = 1024
D = 64
TILE_B = 512


def _search_kernel(z_ref, cb_ref, idx_ref, flat_ref, com_ref, cod_ref,
                   ent_ref, perp_ref, csq_ref, loss_ref, hist_ref, *,
                   batch):
    i = pl.program_id(0)
    n_steps = pl.num_programs(0)

    @pl.when(i == 0)
    def _init():
        loss_ref[:, :] = jnp.zeros((1, 1), jnp.float32)
        hist_ref[:, :] = jnp.zeros((1, K), jnp.float32)
        for g in range(G):
            cb = cb_ref[g]
            csq_ref[g, :, :] = jnp.sum(cb * cb, axis=1)[None, :]

    z_all = z_ref[:, :]
    zneg = z_all * -2.0
    loss_part = jnp.zeros((1, 1), jnp.float32)
    hist_part = jnp.zeros((1, K), jnp.float32)
    ones_row = jnp.ones((1, TILE_B), jnp.float32)
    idx_cols = []
    flat_cols = []
    for g in range(G):
        zg = z_all[:, g * D:(g + 1) * D]
        cross2 = lax.dot_general(
            zneg[:, g * D:(g + 1) * D], cb_ref[g],
            (((1,), (1,)), ((), ())),
            preferred_element_type=jnp.float32)
        z_sq = jnp.sum(zg * zg, axis=1, keepdims=True)
        dist = (z_sq + cross2) + csq_ref[g]
        mind = jnp.min(dist, axis=1, keepdims=True)
        mask = dist <= mind
        iota = lax.broadcasted_iota(jnp.int32, (TILE_B, K), 1)
        idx = jnp.min(jnp.where(mask, iota, K), axis=1)
        idx = idx.astype(jnp.int32)
        maskf = jnp.where(mask, 1.0, 0.0).astype(jnp.float32)
        hist_part = hist_part + jnp.dot(
            ones_row, maskf, preferred_element_type=jnp.float32)
        loss_part = loss_part + jnp.sum(mind).reshape(1, 1)
        idx_cols.append(idx[:, None])
        flat_cols.append(idx[:, None] + g * K)

    idx_ref[:, :] = jnp.concatenate(idx_cols, axis=1)
    flat_ref[:, :] = jnp.concatenate(flat_cols, axis=1)
    hist_ref[:, :] += hist_part
    loss_ref[:, :] += loss_part

    @pl.when(i == n_steps - 1)
    def _finalize():
        loss = loss_ref[:, :] * (1.0 / jnp.float32(batch * G * D))
        com_ref[:, :] = loss
        cod_ref[:, :] = loss
        usage = hist_ref[:, :] * (1.0 / jnp.float32(batch * G))
        ent = -jnp.sum(usage * jnp.log(usage + 1e-10)).reshape(1, 1)
        ent_ref[:, :] = ent
        perp_ref[:, :] = jnp.exp(ent)


def _search(z, codebook):
    batch = z.shape[0]
    n_tiles = batch // TILE_B
    out_shapes = (
        jax.ShapeDtypeStruct((batch, G), jnp.int32),
        jax.ShapeDtypeStruct((batch, G), jnp.int32),
        jax.ShapeDtypeStruct((1, 1), jnp.float32),
        jax.ShapeDtypeStruct((1, 1), jnp.float32),
        jax.ShapeDtypeStruct((1, 1), jnp.float32),
        jax.ShapeDtypeStruct((1, 1), jnp.float32),
    )
    in_specs = [
        pl.BlockSpec((TILE_B, G * D), lambda i: (i, 0)),
        pl.BlockSpec((G, K, D), lambda i: (0, 0, 0)),
    ]
    out_specs = (
        pl.BlockSpec((TILE_B, G), lambda i: (i, 0)),
        pl.BlockSpec((TILE_B, G), lambda i: (i, 0)),
        pl.BlockSpec((1, 1), lambda i: (0, 0)),
        pl.BlockSpec((1, 1), lambda i: (0, 0)),
        pl.BlockSpec((1, 1), lambda i: (0, 0)),
        pl.BlockSpec((1, 1), lambda i: (0, 0)),
    )
    scratch_shapes = [
        pltpu.VMEM((G, 1, K), jnp.float32),
        pltpu.VMEM((1, 1), jnp.float32),
        pltpu.VMEM((1, K), jnp.float32),
    ]
    return pl.pallas_call(
        functools.partial(_search_kernel, batch=batch),
        grid=(n_tiles,),
        in_specs=in_specs,
        out_specs=out_specs,
        out_shape=out_shapes,
        scratch_shapes=scratch_shapes,
    )(z, codebook)


def _make_sc_gather(n_rows, chunk):
    info = plsc.get_sparse_core_info()
    nw = info.num_cores * info.num_subcores
    rows_per_w = n_rows // nw
    n_chunks = rows_per_w // chunk
    mesh = plsc.VectorSubcoreMesh(core_axis_name="c", subcore_axis_name="s")

    @functools.partial(
        pl.kernel, mesh=mesh,
        compiler_params=pltpu.CompilerParams(use_tc_tiling_on_sc=False),
        out_type=jax.ShapeDtypeStruct((n_rows, D), jnp.float32),
        scratch_types=[
            pltpu.VMEM((rows_per_w,), jnp.int32),
            pltpu.VMEM((chunk, D), jnp.float32),
            pltpu.VMEM((chunk, D), jnp.float32),
            pltpu.SemaphoreType.DMA,
            pltpu.SemaphoreType.DMA,
        ],
    )
    def gather_k(table_hbm, flat_hbm, out_hbm, idx_v, rows_a, rows_b,
                 sem_g, sem_s):
        wid = lax.axis_index("s") * info.num_cores + lax.axis_index("c")
        base = wid * rows_per_w
        pltpu.sync_copy(flat_hbm.at[pl.ds(base, rows_per_w)], idx_v)
        bufs = (rows_a, rows_b)
        prev_store = None
        for c in range(n_chunks):
            buf = bufs[c % 2]
            hg = pltpu.async_copy(
                table_hbm.at[idx_v.at[pl.ds(c * chunk, chunk)]], buf,
                sem_g)
            hg.wait()
            if prev_store is not None:
                prev_store.wait()
            prev_store = pltpu.async_copy(
                buf, out_hbm.at[pl.ds(base + c * chunk, chunk)], sem_s)
        prev_store.wait()

    return gather_k


def kernel(z, codebook):
    batch = z.shape[0]
    idx, flat, com, cod, ent, perp = _search(z, codebook)
    table = codebook.reshape(G * K, D)
    gather_k = _make_sc_gather(batch * G, 512)
    q = gather_k(table, flat.reshape(-1))
    q = q.reshape(batch, G * D)
    return (q, idx, com.reshape(()), cod.reshape(()), ent.reshape(()),
            perp.reshape(()))

# --- scband reference (transcript-rebuilt; emitter-appended) ---
"""Pipeline reference for scband-grouped-vector-quantizer-35648228556983 (READ-ONLY COPY).

The authoritative reference and input builder live on the scoring server;
editing this copy changes nothing except your own understanding.
"""

import jax, jax.numpy as jnp
import numpy as np

NUM_CODEBOOKS = 16
CODEBOOK_SIZE = 1024
CODE_DIM = 64
BATCH = 4096
LATENT = NUM_CODEBOOKS * CODE_DIM
INIT_SCALE = 0.1


def setup_inputs(seed: int = 0) -> dict:
    key = jax.random.key(seed)
    k1, k2 = jax.random.split(key)
    z = jax.random.normal(k1, (BATCH, LATENT), dtype=jnp.float32)
    codebook = jax.random.uniform(k2, (NUM_CODEBOOKS, CODEBOOK_SIZE, CODE_DIM), dtype=jnp.float32, minval=-INIT_SCALE, maxval=INIT_SCALE)
    return {"z": z, "codebook": codebook}


def reference(z, codebook):
    B = z.shape[0]
    z_groups = z.reshape(B, NUM_CODEBOOKS, CODE_DIM)
    # squared L2 distances [B, G, K] via the algebraically-identical expansion
    # ||z - c||^2 = ||z||^2 - 2 z.c + ||c||^2 (avoids materializing [B,G,K,d])
    z_sq = jnp.sum(z_groups ** 2, axis=-1, keepdims=True)          # [B, G, 1]
    c_sq = jnp.sum(codebook ** 2, axis=-1)[None, :, :]              # [1, G, K]
    cross = jnp.einsum('bgd,gkd->bgk', z_groups, codebook)          # [B, G, K]
    distances = z_sq - 2.0 * cross + c_sq
    indices = jnp.argmin(distances, axis=-1)                        # [B, G]
    g_idx = jnp.arange(NUM_CODEBOOKS)[None, :]                      # [1, G]
    z_q_groups = codebook[g_idx, indices]                           # [B, G, d]
    commitment_loss = jnp.mean((z_groups - jax.lax.stop_gradient(z_q_groups)) ** 2)
    codebook_loss = jnp.mean((z_q_groups - jax.lax.stop_gradient(z_groups)) ** 2)
    z_st_groups = z_groups + jax.lax.stop_gradient(z_q_groups - z_groups)
    usage = jnp.mean(jax.nn.one_hot(indices, CODEBOOK_SIZE, dtype=jnp.float32), axis=(0, 1))
    entropy = -jnp.sum(usage * jnp.log(usage + 1e-10))
    perplexity = jnp.exp(entropy)
    quantized_flat = z_st_groups.reshape(B, LATENT)
    return (quantized_flat, indices, commitment_loss, codebook_loss, entropy, perplexity)

if __name__ == "__main__":
    import jax
    _d = setup_inputs()
    print(jax.jit(kernel)(*tuple(_d.values())))

</pallas_src>

<mosaic_0001>
#map = affine_map<(d0, d1) -> (0, 0)>
#map1 = affine_map<(d0, d1) -> (0)>
module attributes {stable_mosaic.version = 14 : i64} {
  func.func @gather_k(%arg0: i32, %arg1: i32, %arg2: memref<16384x64xf32, #tpu.memory_space<hbm>>, %arg3: memref<65536xi32, #tpu.memory_space<hbm>>, %arg4: memref<65536x64xf32, #tpu.memory_space<hbm>>, %arg5: memref<2048xi32, #tpu.memory_space<vmem>>, %arg6: memref<512x64xf32, #tpu.memory_space<vmem>>, %arg7: memref<512x64xf32, #tpu.memory_space<vmem>>, %arg8: memref<!tpu.dma_semaphore, #tpu.memory_space<semaphore_mem>>, %arg9: memref<!tpu.dma_semaphore, #tpu.memory_space<semaphore_mem>>) attributes {dimension_semantics = [#tpu.dimension_semantics<core_parallel>, #tpu.dimension_semantics<subcore_parallel>], iteration_bounds = array<i64: 2, 16>, scalar_prefetch = 0 : i64, scratch_operands = 5 : i64, tpu.core_type = #tpu.core_type<sc_vector_subcore>, window_params = [{transform_indices = #map}, {transform_indices = #map1}, {transform_indices = #map}]} {
    %mul3A = arith.constant 2 : i32
    %mul3A_0 = arith.muli %arg1, %mul3A : i32
    %add3A = arith.addi %mul3A_0, %arg0 : i32
    %mul3A_1 = arith.constant 2048 : i32
    %mul3A_2 = arith.muli %add3A, %mul3A_1 : i32
    "tpu.region"() ({
      %run_scoped3A = tpu.sem_alloc : memref<!tpu.dma_semaphore, #tpu.memory_space<semaphore_mem>>
      %dma_start3A_81 = tpu.memref_slice %arg3[%mul3A_2] : memref<65536xi32, #tpu.memory_space<hbm>> -> memref<2048xi32, #tpu.memory_space<hbm>>
      %dma_start3A_82 = tpu.memref_slice %arg3[%mul3A_2] : memref<65536xi32, #tpu.memory_space<hbm>> -> memref<2048xi32, #tpu.memory_space<hbm>>
      tpu.enqueue_dma source(%dma_start3A_82 : memref<2048xi32, #tpu.memory_space<hbm>>) target(%arg5 : memref<2048xi32, #tpu.memory_space<vmem>>) target_semaphore(%run_scoped3A : memref<!tpu.dma_semaphore, #tpu.memory_space<semaphore_mem>>)
      %dma_wait3A_83 = tpu.memref_slice %arg3[%mul3A_2] : memref<65536xi32, #tpu.memory_space<hbm>> -> memref<2048xi32, #tpu.memory_space<hbm>>
      %dma_wait3A_84 = tpu.memref_slice %arg3[%mul3A_2] : memref<65536xi32, #tpu.memory_space<hbm>> -> memref<2048xi32, #tpu.memory_space<hbm>>
      tpu.wait_dma2 semaphore(%run_scoped3A : memref<!tpu.dma_semaphore, #tpu.memory_space<semaphore_mem>>) src(%dma_wait3A_84 : memref<2048xi32, #tpu.memory_space<hbm>>) dst(%arg5 : memref<2048xi32, #tpu.memory_space<vmem>>)
      tpu.yield
    }) : () -> ()
    %dma_start3A = arith.constant 0 : i32
    %dma_start3A_3 = tpu.memref_slice %arg5[%dma_start3A] : memref<2048xi32, #tpu.memory_space<vmem>> -> memref<512xi32, #tpu.memory_space<vmem>>
    %dma_start3A_4 = arith.constant 0 : i32
    %dma_start3A_5 = arith.constant 0 : i32
    %dma_start3A_6 = tpu.memref_slice %arg2[%dma_start3A_4, %dma_start3A_5] : memref<16384x64xf32, #tpu.memory_space<hbm>> -> memref<16384x64xf32, #tpu.memory_space<hbm>>
    tpu.enqueue_indirect_dma source(%dma_start3A_6 : memref<16384x64xf32, #tpu.memory_space<hbm>>) target(%arg6 : memref<512x64xf32, #tpu.memory_space<vmem>>) offsets(%dma_start3A_3 : memref<512xi32, #tpu.memory_space<vmem>>) semaphore(%arg8 : memref<!tpu.dma_semaphore, #tpu.memory_space<semaphore_mem>>)
    %dma_wait3A = arith.constant 0 : i32
    %dma_wait3A_7 = tpu.memref_slice %arg5[%dma_wait3A] : memref<2048xi32, #tpu.memory_space<vmem>> -> memref<512xi32, #tpu.memory_space<vmem>>
    %dma_wait3A_8 = arith.constant 0 : i32
    %dma_wait3A_9 = arith.constant 0 : i32
    %dma_wait3A_10 = tpu.memref_slice %arg2[%dma_wait3A_8, %dma_wait3A_9] : memref<16384x64xf32, #tpu.memory_space<hbm>> -> memref<16384x64xf32, #tpu.memory_space<hbm>>
    tpu.wait_indirect_dma semaphore(%arg8 : memref<!tpu.dma_semaphore, #tpu.memory_space<semaphore_mem>>) src(%dma_wait3A_10 : memref<16384x64xf32, #tpu.memory_space<hbm>>) dst(%arg6 : memref<512x64xf32, #tpu.memory_space<vmem>>)
    %add3A_11 = arith.constant 0 : i32
    %add3A_12 = arith.addi %mul3A_2, %add3A_11 : i32
    %dma_start3A_13 = arith.constant 0 : i32
    %dma_start3A_14 = tpu.memref_slice %arg4[%add3A_12, %dma_start3A_13] : memref<65536x64xf32, #tpu.memory_space<hbm>> -> memref<512x64xf32, #tpu.memory_space<hbm>>
    %dma_start3A_15 = arith.constant 0 : i32
    %dma_start3A_16 = tpu.memref_slice %arg4[%add3A_12, %dma_start3A_15] : memref<65536x64xf32, #tpu.memory_space<hbm>> -> memref<512x64xf32, #tpu.memory_space<hbm>>
    tpu.enqueue_dma source(%arg6 : memref<512x64xf32, #tpu.memory_space<vmem>>) target(%dma_start3A_16 : memref<512x64xf32, #tpu.memory_space<hbm>>) target_semaphore(%arg9 : memref<!tpu.dma_semaphore, #tpu.memory_space<semaphore_mem>>)
    %dma_start3A_17 = arith.constant 512 : i32
    %dma_start3A_18 = tpu.memref_slice %arg5[%dma_start3A_17] : memref<2048xi32, #tpu.memory_space<vmem>> -> memref<512xi32, #tpu.memory_space<vmem>>
    %dma_start3A_19 = arith.constant 0 : i32
    %dma_start3A_20 = arith.constant 0 : i32
    %dma_start3A_21 = tpu.memref_slice %arg2[%dma_start3A_19, %dma_start3A_20] : memref<16384x64xf32, #tpu.memory_space<hbm>> -> memref<16384x64xf32, #tpu.memory_space<hbm>>
    tpu.enqueue_indirect_dma source(%dma_start3A_21 : memref<16384x64xf32, #tpu.memory_space<hbm>>) target(%arg7 : memref<512x64xf32, #tpu.memory_space<vmem>>) offsets(%dma_start3A_18 : memref<512xi32, #tpu.memory_space<vmem>>) semaphore(%arg8 : memref<!tpu.dma_semaphore, #tpu.memory_space<semaphore_mem>>)
    %dma_wait3A_22 = arith.constant 512 : i32
    %dma_wait3A_23 = tpu.memref_slice %arg5[%dma_wait3A_22] : memref<2048xi32, #tpu.memory_space<vmem>> -> memref<512xi32, #tpu.memory_space<vmem>>
    %dma_wait3A_24 = arith.constant 0 : i32
    %dma_wait3A_25 = arith.constant 0 : i32
    %dma_wait3A_26 = tpu.memref_slice %arg2[%dma_wait3A_24, %dma_wait3A_25] : memref<16384x64xf32, #tpu.memory_space<hbm>> -> memref<16384x64xf32, #tpu.memory_space<hbm>>
    tpu.wait_indirect_dma semaphore(%arg8 : memref<!tpu.dma_semaphore, #tpu.memory_space<semaphore_mem>>) src(%dma_wait3A_26 : memref<16384x64xf32, #tpu.memory_space<hbm>>) dst(%arg7 : memref<512x64xf32, #tpu.memory_space<vmem>>)
    %dma_wait3A_27 = arith.constant 0 : i32
    %dma_wait3A_28 = tpu.memref_slice %arg4[%add3A_12, %dma_wait3A_27] : memref<65536x64xf32, #tpu.memory_space<hbm>> -> memref<512x64xf32, #tpu.memory_space<hbm>>
    %dma_wait3A_29 = arith.constant 0 : i32
    %dma_wait3A_30 = tpu.memref_slice %arg4[%add3A_12, %dma_wait3A_29] : memref<65536x64xf32, #tpu.memory_space<hbm>> -> memref<512x64xf32, #tpu.memory_space<hbm>>
    tpu.wait_dma2 semaphore(%arg9 : memref<!tpu.dma_semaphore, #tpu.memory_space<semaphore_mem>>) src(%arg6 : memref<512x64xf32, #tpu.memory_space<vmem>>) dst(%dma_wait3A_30 : memref<512x64xf32, #tpu.memory_space<hbm>>)
    %add3A_31 = arith.constant 512 : i32
    %add3A_32 = arith.addi %mul3A_2, %add3A_31 : i32
    %dma_start3A_33 = arith.constant 0 : i32
    %dma_start3A_34 = tpu.memref_slice %arg4[%add3A_32, %dma_start3A_33] : memref<65536x64xf32, #tpu.memory_space<hbm>> -> memref<512x64xf32, #tpu.memory_space<hbm>>
    %dma_start3A_35 = arith.constant 0 : i32
    %dma_start3A_36 = tpu.memref_slice %arg4[%add3A_32, %dma_start3A_35] : memref<65536x64xf32, #tpu.memory_space<hbm>> -> memref<512x64xf32, #tpu.memory_space<hbm>>
    tpu.enqueue_dma source(%arg7 : memref<512x64xf32, #tpu.memory_space<vmem>>) target(%dma_start3A_36 : memref<512x64xf32, #tpu.memory_space<hbm>>) target_semaphore(%arg9 : memref<!tpu.dma_semaphore, #tpu.memory_space<semaphore_mem>>)
    %dma_start3A_37 = arith.constant 1024 : i32
    %dma_start3A_38 = tpu.memref_slice %arg5[%dma_start3A_37] : memref<2048xi32, #tpu.memory_space<vmem>> -> memref<512xi32, #tpu.memory_space<vmem>>
    %dma_start3A_39 = arith.constant 0 : i32
    %dma_start3A_40 = arith.constant 0 : i32
    %dma_start3A_41 = tpu.memref_slice %arg2[%dma_start3A_39, %dma_start3A_40] : memref<16384x64xf32, #tpu.memory_space<hbm>> -> memref<16384x64xf32, #tpu.memory_space<hbm>>
    tpu.enqueue_indirect_dma source(%dma_start3A_41 : memref<16384x64xf32, #tpu.memory_space<hbm>>) target(%arg6 : memref<512x64xf32, #tpu.memory_space<vmem>>) offsets(%dma_start3A_38 : memref<512xi32, #tpu.memory_space<vmem>>) semaphore(%arg8 : memref<!tpu.dma_semaphore, #tpu.memory_space<semaphore_mem>>)
    %dma_wait3A_42 = arith.constant 1024 : i32
    %dma_wait3A_43 = tpu.memref_slice %arg5[%dma_wait3A_42] : memref<2048xi32, #tpu.memory_space<vmem>> -> memref<512xi32, #tpu.memory_space<vmem>>
    %dma_wait3A_44 = arith.constant 0 : i32
    %dma_wait3A_45 = arith.constant 0 : i32
    %dma_wait3A_46 = tpu.memref_slice %arg2[%dma_wait3A_44, %dma_wait3A_45] : memref<16384x64xf32, #tpu.memory_space<hbm>> -> memref<16384x64xf32, #tpu.memory_space<hbm>>
    tpu.wait_indirect_dma semaphore(%arg8 : memref<!tpu.dma_semaphore, #tpu.memory_space<semaphore_mem>>) src(%dma_wait3A_46 : memref<16384x64xf32, #tpu.memory_space<hbm>>) dst(%arg6 : memref<512x64xf32, #tpu.memory_space<vmem>>)
    %dma_wait3A_47 = arith.constant 0 : i32
    %dma_wait3A_48 = tpu.memref_slice %arg4[%add3A_32, %dma_wait3A_47] : memref<65536x64xf32, #tpu.memory_space<hbm>> -> memref<512x64xf32, #tpu.memory_space<hbm>>
    %dma_wait3A_49 = arith.constant 0 : i32
    %dma_wait3A_50 = tpu.memref_slice %arg4[%add3A_32, %dma_wait3A_49] : memref<65536x64xf32, #tpu.memory_space<hbm>> -> memref<512x64xf32, #tpu.memory_space<hbm>>
    tpu.wait_dma2 semaphore(%arg9 : memref<!tpu.dma_semaphore, #tpu.memory_space<semaphore_mem>>) src(%arg7 : memref<512x64xf32, #tpu.memory_space<vmem>>) dst(%dma_wait3A_50 : memref<512x64xf32, #tpu.memory_space<hbm>>)
    %add3A_51 = arith.constant 1024 : i32
    %add3A_52 = arith.addi %mul3A_2, %add3A_51 : i32
    %dma_start3A_53 = arith.constant 0 : i32
    %dma_start3A_54 = tpu.memref_slice %arg4[%add3A_52, %dma_start3A_53] : memref<65536x64xf32, #tpu.memory_space<hbm>> -> memref<512x64xf32, #tpu.memory_space<hbm>>
    %dma_start3A_55 = arith.constant 0 : i32
    %dma_start3A_56 = tpu.memref_slice %arg4[%add3A_52, %dma_start3A_55] : memref<65536x64xf32, #tpu.memory_space<hbm>> -> memref<512x64xf32, #tpu.memory_space<hbm>>
    tpu.enqueue_dma source(%arg6 : memref<512x64xf32, #tpu.memory_space<vmem>>) target(%dma_start3A_56 : memref<512x64xf32, #tpu.memory_space<hbm>>) target_semaphore(%arg9 : memref<!tpu.dma_semaphore, #tpu.memory_space<semaphore_mem>>)
    %dma_start3A_57 = arith.constant 1536 : i32
    %dma_start3A_58 = tpu.memref_slice %arg5[%dma_start3A_57] : memref<2048xi32, #tpu.memory_space<vmem>> -> memref<512xi32, #tpu.memory_space<vmem>>
    %dma_start3A_59 = arith.constant 0 : i32
    %dma_start3A_60 = arith.constant 0 : i32
    %dma_start3A_61 = tpu.memref_slice %arg2[%dma_start3A_59, %dma_start3A_60] : memref<16384x64xf32, #tpu.memory_space<hbm>> -> memref<16384x64xf32, #tpu.memory_space<hbm>>
    tpu.enqueue_indirect_dma source(%dma_start3A_61 : memref<16384x64xf32, #tpu.memory_space<hbm>>) target(%arg7 : memref<512x64xf32, #tpu.memory_space<vmem>>) offsets(%dma_start3A_58 : memref<512xi32, #tpu.memory_space<vmem>>) semaphore(%arg8 : memref<!tpu.dma_semaphore, #tpu.memory_space<semaphore_mem>>)
    %dma_wait3A_62 = arith.constant 1536 : i32
    %dma_wait3A_63 = tpu.memref_slice %arg5[%dma_wait3A_62] : memref<2048xi32, #tpu.memory_space<vmem>> -> memref<512xi32, #tpu.memory_space<vmem>>
    %dma_wait3A_64 = arith.constant 0 : i32
    %dma_wait3A_65 = arith.constant 0 : i32
    %dma_wait3A_66 = tpu.memref_slice %arg2[%dma_wait3A_64, %dma_wait3A_65] : memref<16384x64xf32, #tpu.memory_space<hbm>> -> memref<16384x64xf32, #tpu.memory_space<hbm>>
    tpu.wait_indirect_dma semaphore(%arg8 : memref<!tpu.dma_semaphore, #tpu.memory_space<semaphore_mem>>) src(%dma_wait3A_66 : memref<16384x64xf32, #tpu.memory_space<hbm>>) dst(%arg7 : memref<512x64xf32, #tpu.memory_space<vmem>>)
    %dma_wait3A_67 = arith.constant 0 : i32
    %dma_wait3A_68 = tpu.memref_slice %arg4[%add3A_52, %dma_wait3A_67] : memref<65536x64xf32, #tpu.memory_space<hbm>> -> memref<512x64xf32, #tpu.memory_space<hbm>>
    %dma_wait3A_69 = arith.constant 0 : i32
    %dma_wait3A_70 = tpu.memref_slice %arg4[%add3A_52, %dma_wait3A_69] : memref<65536x64xf32, #tpu.memory_space<hbm>> -> memref<512x64xf32, #tpu.memory_space<hbm>>
    tpu.wait_dma2 semaphore(%arg9 : memref<!tpu.dma_semaphore, #tpu.memory_space<semaphore_mem>>) src(%arg6 : memref<512x64xf32, #tpu.memory_space<vmem>>) dst(%dma_wait3A_70 : memref<512x64xf32, #tpu.memory_space<hbm>>)
    %add3A_71 = arith.constant 1536 : i32
    %add3A_72 = arith.addi %mul3A_2, %add3A_71 : i32
    %dma_start3A_73 = arith.constant 0 : i32
    %dma_start3A_74 = tpu.memref_slice %arg4[%add3A_72, %dma_start3A_73] : memref<65536x64xf32, #tpu.memory_space<hbm>> -> memref<512x64xf32, #tpu.memory_space<hbm>>
    %dma_start3A_75 = arith.constant 0 : i32
    %dma_start3A_76 = tpu.memref_slice %arg4[%add3A_72, %dma_start3A_75] : memref<65536x64xf32, #tpu.memory_space<hbm>> -> memref<512x64xf32, #tpu.memory_space<hbm>>
    tpu.enqueue_dma source(%arg7 : memref<512x64xf32, #tpu.memory_space<vmem>>) target(%dma_start3A_76 : memref<512x64xf32, #tpu.memory_space<hbm>>) target_semaphore(%arg9 : memref<!tpu.dma_semaphore, #tpu.memory_space<semaphore_mem>>)
    %dma_wait3A_77 = arith.constant 0 : i32
    %dma_wait3A_78 = tpu.memref_slice %arg4[%add3A_72, %dma_wait3A_77] : memref<65536x64xf32, #tpu.memory_space<hbm>> -> memref<512x64xf32, #tpu.memory_space<hbm>>
    %dma_wait3A_79 = arith.constant 0 : i32
    %dma_wait3A_80 = tpu.memref_slice %arg4[%add3A_72, %dma_wait3A_79] : memref<65536x64xf32, #tpu.memory_space<hbm>> -> memref<512x64xf32, #tpu.memory_space<hbm>>
    tpu.wait_dma2 semaphore(%arg9 : memref<!tpu.dma_semaphore, #tpu.memory_space<semaphore_mem>>) src(%arg7 : memref<512x64xf32, #tpu.memory_space<vmem>>) dst(%dma_wait3A_80 : memref<512x64xf32, #tpu.memory_space<hbm>>)
    return
  }
}

module attributes {stable_mosaic.version = 14 : i64} {
  func.func @_search_kernel(%arg0: i32, %arg1: memref<512x1024xf32, #tpu.memory_space<vmem>>, %arg2: memref<16x1024x64xf32, #tpu.memory_space<vmem>>, %arg3: memref<512x16xi32, #tpu.memory_space<vmem>>, %arg4: memref<512x16xi32, #tpu.memory_space<vmem>>, %arg5: memref<1x1xf32, #tpu.memory_space<vmem>>, %arg6: memref<1x1xf32, #tpu.memory_space<vmem>>, %arg7: memref<1x1xf32, #tpu.memory_space<vmem>>, %arg8: memref<1x1xf32, #tpu.memory_space<vmem>>, %arg9: memref<16x1x1024xf32, #tpu.memory_space<vmem>>, %arg10: memref<1x1xf32, #tpu.memory_space<vmem>>, %arg11: memref<1x1024xf32, #tpu.memory_space<vmem>>) attributes {dimension_semantics = [#tpu.dimension_semantics<arbitrary>], iteration_bounds = array<i64: 8>, scalar_prefetch = 0 : i64, scratch_operands = 3 : i64, tpu.core_type = #tpu.core_type<tc>, window_params = [{transform_indices = @transform_0, window_bounds = array<i64: 512, 1024>}, {pipeline_mode = #tpu.pipeline_mode<synchronous>, transform_indices = @transform_1, window_bounds = array<i64: 16, 1024, 64>}, {transform_indices = @transform_2, window_bounds = array<i64: 512, 16>}, {transform_indices = @transform_3, window_bounds = array<i64: 512, 16>}, {pipeline_mode = #tpu.pipeline_mode<synchronous>, transform_indices = @transform_4, window_bounds = array<i64: 1, 1>}, {pipeline_mode = #tpu.pipeline_mode<synchronous>, transform_indices = @transform_5, window_bounds = array<i64: 1, 1>}, {pipeline_mode = #tpu.pipeline_mode<synchronous>, transform_indices = @transform_6, window_bounds = array<i64: 1, 1>}, {pipeline_mode = #tpu.pipeline_mode<synchronous>, transform_indices = @transform_7, window_bounds = array<i64: 1, 1>}]} {
    %eq3A = arith.constant 0 : i32
    %eq3A_0 = arith.cmpi eq, %arg0, %eq3A : i32
    %convert_element_type3A = arith.extui %eq3A_0 : i1 to i32
    %cond3A = arith.constant 0 : i32
    %cond3A_1 = arith.cmpi ne, %convert_element_type3A, %cond3A : i32
    scf.if %cond3A_1 {
      %broadcast_in_dim3A_874 = arith.constant 0.000000e+00 : f32
      %broadcast_in_dim3A_875 = vector.broadcast %broadcast_in_dim3A_874 : f32 to vector<1x1xf32>
      %swap3A_876 = arith.constant 0 : index
      %swap3A_877 = arith.constant 0 : index
      %swap3A_878 = vector.load %arg10[%swap3A_876, %swap3A_877] : memref<1x1xf32, #tpu.memory_space<vmem>>, vector<1x1xf32>
      tpu.vector_store %arg10[%swap3A_876, %swap3A_877], %broadcast_in_dim3A_875 {strides = array<i32>} : memref<1x1xf32, #tpu.memory_space<vmem>>, vector<1x1xf32>,
      %broadcast_in_dim3A_879 = arith.constant 0.000000e+00 : f32
      %broadcast_in_dim3A_880 = vector.broadcast %broadcast_in_dim3A_879 : f32 to vector<1x1024xf32>
      %swap3A_881 = arith.constant 0 : index
      %swap3A_882 = arith.constant 0 : index
      %swap3A_883 = vector.load %arg11[%swap3A_881, %swap3A_882] : memref<1x1024xf32, #tpu.memory_space<vmem>>, vector<1x1024xf32>
      tpu.vector_store %arg11[%swap3A_881, %swap3A_882], %broadcast_in_dim3A_880 {strides = array<i32>} : memref<1x1024xf32, #tpu.memory_space<vmem>>, vector<1x1024xf32>,
      %get3A_884 = arith.constant 0 : index
      %get3A_885 = arith.constant 0 : index
      %get3A_886 = arith.constant 0 : index
      %get3A_887 = vector.load %arg2[%get3A_884, %get3A_885, %get3A_886] : memref<16x1024x64xf32, #tpu.memory_space<vmem>>, vector<1x1024x64xf32>
      %get3A_888 = vector.shape_cast %get3A_887 : vector<1x1024x64xf32> to vector<1024x64xf32>
      %mul3A_889 = arith.mulf %get3A_888, %get3A_888 : vector<1024x64xf32>
      %reduce_sum3A_890 = arith.constant dense<0.000000e+00> : vector<1024xf32>
      %reduce_sum3A_891 = vector.multi_reduction <add>, %mul3A_889, %reduce_sum3A_890 [1] : vector<1024x64xf32> to vector<1024xf32>
      %broadcast_in_dim3A_892 = vector.shape_cast %reduce_sum3A_891 : vector<1024xf32> to vector<1x1024xf32>
      %swap3A_893 = arith.constant 0 : index
      %swap3A_894 = arith.constant 0 : index
      %swap3A_895 = arith.constant 0 : index
      %swap3A_896 = vector.load %arg9[%swap3A_893, %swap3A_894, %swap3A_895] : memref<16x1x1024xf32, #tpu.memory_space<vmem>>, vector<1x1x1024xf32>
      %swap3A_897 = vector.shape_cast %swap3A_896 : vector<1x1x1024xf32> to vector<1x1024xf32>
      %swap3A_898 = vector.shape_cast %broadcast_in_dim3A_892 : vector<1x1024xf32> to vector<1x1x1024xf32>
      tpu.vector_store %arg9[%swap3A_893, %swap3A_894, %swap3A_895], %swap3A_898 {strides = array<i32>} : memref<16x1x1024xf32, #tpu.memory_space<vmem>>, vector<1x1x1024xf32>,
      %get3A_899 = arith.constant 1 : index
      %get3A_900 = arith.constant 0 : index
      %get3A_901 = arith.constant 0 : index
      %get3A_902 = vector.load %arg2[%get3A_899, %get3A_900, %get3A_901] : memref<16x1024x64xf32, #tpu.memory_space<vmem>>, vector<1x1024x64xf32>
      %get3A_903 = vector.shape_cast %get3A_902 : vector<1x1024x64xf32> to vector<1024x64xf32>
      %mul3A_904 = arith.mulf %get3A_903, %get3A_903 : vector<1024x64xf32>
      %reduce_sum3A_905 = arith.constant dense<0.000000e+00> : vector<1024xf32>
      %reduce_sum3A_906 = vector.multi_reduction <add>, %mul3A_904, %reduce_sum3A_905 [1] : vector<1024x64xf32> to vector<1024xf32>
      %broadcast_in_dim3A_907 = vector.shape_cast %reduce_sum3A_906 : vector<1024xf32> to vector<1x1024xf32>
      %swap3A_908 = arith.constant 1 : index
      %swap3A_909 = arith.constant 0 : index
      %swap3A_910 = arith.constant 0 : index
      %swap3A_911 = vector.load %arg9[%swap3A_908, %swap3A_909, %swap3A_910] : memref<16x1x1024xf32, #tpu.memory_space<vmem>>, vector<1x1x1024xf32>
      %swap3A_912 = vector.shape_cast %swap3A_911 : vector<1x1x1024xf32> to vector<1x1024xf32>
      %swap3A_913 = vector.shape_cast %broadcast_in_dim3A_907 : vector<1x1024xf32> to vector<1x1x1024xf32>
      tpu.vector_store %arg9[%swap3A_908, %swap3A_909, %swap3A_910], %swap3A_913 {strides = array<i32>} : memref<16x1x1024xf32, #tpu.memory_space<vmem>>, vector<1x1x1024xf32>,
      %get3A_914 = arith.constant 2 : index
      %get3A_915 = arith.constant 0 : index
      %get3A_916 = arith.constant 0 : index
      %get3A_917 = vector.load %arg2[%get3A_914, %get3A_915, %get3A_916] : memref<16x1024x64xf32, #tpu.memory_space<vmem>>, vector<1x1024x64xf32>
      %get3A_918 = vector.shape_cast %get3A_917 : vector<1x1024x64xf32> to vector<1024x64xf32>
      %mul3A_919 = arith.mulf %get3A_918, %get3A_918 : vector<1024x64xf32>
      %reduce_sum3A_920 = arith.constant dense<0.000000e+00> : vector<1024xf32>
      %reduce_sum3A_921 = vector.multi_reduction <add>, %mul3A_919, %reduce_sum3A_920 [1] : vector<1024x64xf32> to vector<1024xf32>
      %broadcast_in_dim3A_922 = vector.shape_cast %reduce_sum3A_921 : vector<1024xf32> to vector<1x1024xf32>
      %swap3A_923 = arith.constant 2 : index
      %swap3A_924 = arith.constant 0 : index
      %swap3A_925 = arith.constant 0 : index
      %swap3A_926 = vector.load %arg9[%swap3A_923, %swap3A_924, %swap3A_925] : memref<16x1x1024xf32, #tpu.memory_space<vmem>>, vector<1x1x1024xf32>
      %swap3A_927 = vector.shape_cast %swap3A_926 : vector<1x1x1024xf32> to vector<1x1024xf32>
      %swap3A_928 = vector.shape_cast %broadcast_in_dim3A_922 : vector<1x1024xf32> to vector<1x1x1024xf32>
      tpu.vector_store %arg9[%swap3A_923, %swap3A_924, %swap3A_925], %swap3A_928 {strides = array<i32>} : memref<16x1x1024xf32, #tpu.memory_space<vmem>>, vector<1x1x1024xf32>,
      %get3A_929 = arith.constant 3 : index
      %get3A_930 = arith.constant 0 : index
      %get3A_931 = arith.constant 0 : index
      %get3A_932 = vector.load %arg2[%get3A_929, %get3A_930, %get3A_931] : memref<16x1024x64xf32, #tpu.memory_space<vmem>>, vector<1x1024x64xf32>
      %get3A_933 = vector.shape_cast %get3A_932 : vector<1x1024x64xf32> to vector<1024x64xf32>
      %mul3A_934 = arith.mulf %get3A_933, %get3A_933 : vector<1024x64xf32>
      %reduce_sum3A_935 = arith.constant dense<0.000000e+00> : vector<1024xf32>
      %reduce_sum3A_936 = vector.multi_reduction <add>, %mul3A_934, %reduce_sum3A_935 [1] : vector<1024x64xf32> to vector<1024xf32>
      %broadcast_in_dim3A_937 = vector.shape_cast %reduce_sum3A_936 : vector<1024xf32> to vector<1x1024xf32>
      %swap3A_938 = arith.constant 3 : index
      %swap3A_939 = arith.constant 0 : index
      %swap3A_940 = arith.constant 0 : index
      %swap3A_941 = vector.load %arg9[%swap3A_938, %swap3A_939, %swap3A_940] : memref<16x1x1024xf32, #tpu.memory_space<vmem>>, vector<1x1x1024xf32>
      %swap3A_942 = vector.shape_cast %swap3A_941 : vector<1x1x1024xf32> to vector<1x1024xf32>
      %swap3A_943 = vector.shape_cast %broadcast_in_dim3A_937 : vector<1x1024xf32> to vector<1x1x1024xf32>
      tpu.vector_store %arg9[%swap3A_938, %swap3A_939, %swap3A_940], %swap3A_943 {strides = array<i32>} : memref<16x1x1024xf32, #tpu.memory_space<vmem>>, vector<1x1x1024xf32>,
      %get3A_944 = arith.constant 4 : index
      %get3A_945 = arith.constant 0 : index
      %get3A_946 = arith.constant 0 : index
      %get3A_947 = vector.load %arg2[%get3A_944, %get3A_945, %get3A_946] : memref<16x1024x64xf32, #tpu.memory_space<vmem>>, vector<1x1024x64xf32>
      %get3A_948 = vector.shape_cast %get3A_947 : vector<1x1024x64xf32> to vector<1024x64xf32>
      %mul3A_949 = arith.mulf %get3A_948, %get3A_948 : vector<1024x64xf32>
      %reduce_sum3A_950 = arith.constant dense<0.000000e+00> : vector<1024xf32>
      %reduce_sum3A_951 = vector.multi_reduction <add>, %mul3A_949, %reduce_sum3A_950 [1] : vector<1024x64xf32> to vector<1024xf32>
      %broadcast_in_dim3A_952 = vector.shape_cast %reduce_sum3A_951 : vector<1024xf32> to vector<1x1024xf32>
      %swap3A_953 = arith.constant 4 : index
      %swap3A_954 = arith.constant 0 : index
      %swap3A_955 = arith.constant 0 : index
      %swap3A_956 = vector.load %arg9[%swap3A_953, %swap3A_954, %swap3A_955] : memref<16x1x1024xf32, #tpu.memory_space<vmem>>, vector<1x1x1024xf32>
      %swap3A_957 = vector.shape_cast %swap3A_956 : vector<1x1x1024xf32> to vector<1x1024xf32>
      %swap3A_958 = vector.shape_cast %broadcast_in_dim3A_952 : vector<1x1024xf32> to vector<1x1x1024xf32>
      tpu.vector_store %arg9[%swap3A_953, %swap3A_954, %swap3A_955], %swap3A_958 {strides = array<i32>} : memref<16x1x1024xf32, #tpu.memory_space<vmem>>, vector<1x1x1024xf32>,
      %get3A_959 = arith.constant 5 : index
      %get3A_960 = arith.constant 0 : index
      %get3A_961 = arith.constant 0 : index
      %get3A_962 = vector.load %arg2[%get3A_959, %get3A_960, %get3A_961] : memref<16x1024x64xf32, #tpu.memory_space<vmem>>, vector<1x1024x64xf32>
      %get3A_963 = vector.shape_cast %get3A_962 : vector<1x1024x64xf32> to vector<1024x64xf32>
      %mul3A_964 = arith.mulf %get3A_963, %get3A_963 : vector<1024x64xf32>
      %reduce_sum3A_965 = arith.constant dense<0.000000e+00> : vector<1024xf32>
      %reduce_sum3A_966 = vector.multi_reduction <add>, %mul3A_964, %reduce_sum3A_965 [1] : vector<1024x64xf32> to vector<1024xf32>
      %broadcast_in_dim3A_967 = vector.shape_cast %reduce_sum3A_966 : vector<1024xf32> to vector<1x1024xf32>
      %swap3A_968 = arith.constant 5 : index
      %swap3A_969 = arith.constant 0 : index
      %swap3A_970 = arith.constant 0 : index
      %swap3A_971 = vector.load %arg9[%swap3A_968, %swap3A_969, %swap3A_970] : memref<16x1x1024xf32, #tpu.memory_space<vmem>>, vector<1x1x1024xf32>
      %swap3A_972 = vector.shape_cast %swap3A_971 : vector<1x1x1024xf32> to vector<1x1024xf32>
      %swap3A_973 = vector.shape_cast %broadcast_in_dim3A_967 : vector<1x1024xf32> to vector<1x1x1024xf32>
      tpu.vector_store %arg9[%swap3A_968, %swap3A_969, %swap3A_970], %swap3A_973 {strides = array<i32>} : memref<16x1x1024xf32, #tpu.memory_space<vmem>>, vector<1x1x1024xf32>,
      %get3A_974 = arith.constant 6 : index
      %get3A_975 = arith.constant 0 : index
      %get3A_976 = arith.constant 0 : index
      %get3A_977 = vector.load %arg2[%get3A_974, %get3A_975, %get3A_976] : memref<16x1024x64xf32, #tpu.memory_space<vmem>>, vector<1x1024x64xf32>
      %get3A_978 = vector.shape_cast %get3A_977 : vector<1x1024x64xf32> to vector<1024x64xf32>
      %mul3A_979 = arith.mulf %get3A_978, %get3A_978 : vector<1024x64xf32>
      %reduce_sum3A_980 = arith.constant dense<0.000000e+00> : vector<1024xf32>
      %reduce_sum3A_981 = vector.multi_reduction <add>, %mul3A_979, %reduce_sum3A_980 [1] : vector<1024x64xf32> to vector<1024xf32>
      %broadcast_in_dim3A_982 = vector.shape_cast %reduce_sum3A_981 : vector<1024xf32> to vector<1x1024xf32>
      %swap3A_983 = arith.constant 6 : index
      %swap3A_984 = arith.constant 0 : index
      %swap3A_985 = arith.constant 0 : index
      %swap3A_986 = vector.load %arg9[%swap3A_983, %swap3A_984, %swap3A_985] : memref<16x1x1024xf32, #tpu.memory_space<vmem>>, vector<1x1x1024xf32>
      %swap3A_987 = vector.shape_cast %swap3A_986 : vector<1x1x1024xf32> to vector<1x1024xf32>
      %swap3A_988 = vector.shape_cast %broadcast_in_dim3A_982 : vector<1x1024xf32> to vector<1x1x1024xf32>
      tpu.vector_store %arg9[%swap3A_983, %swap3A_984, %swap3A_985], %swap3A_988 {strides = array<i32>} : memref<16x1x1024xf32, #tpu.memory_space<vmem>>, vector<1x1x1024xf32>,
      %get3A_989 = arith.constant 7 : index
      %get3A_990 = arith.constant 0 : index
      %get3A_991 = arith.constant 0 : index
      %get3A_992 = vector.load %arg2[%get3A_989, %get3A_990, %get3A_991] : memref<16x1024x64xf32, #tpu.memory_space<vmem>>, vector<1x1024x64xf32>
      %get3A_993 = vector.shape_cast %get3A_992 : vector<1x1024x64xf32> to vector<1024x64xf32>
      %mul3A_994 = arith.mulf %get3A_993, %get3A_993 : vector<1024x64xf32>
      %reduce_sum3A_995 = arith.constant dense<0.000000e+00> : vector<1024xf32>
      %reduce_sum3A_996 = vector.multi_reduction <add>, %mul3A_994, %reduce_sum3A_995 [1] : vector<1024x64xf32> to vector<1024xf32>
      %broadcast_in_dim3A_997 = vector.shape_cast %reduce_sum3A_996 : vector<1024xf32> to vector<1x1024xf32>
      %swap3A_998 = arith.constant 7 : index
      %swap3A_999 = arith.constant 0 : index
      %swap3A_1000 = arith.constant 0 : index
      %swap3A_1001 = vector.load %arg9[%swap3A_998, %swap3A_999, %swap3A_1000] : memref<16x1x1024xf32, #tpu.memory_space<vmem>>, vector<1x1x1024xf32>
      %swap3A_1002 = vector.shape_cast %swap3A_1001 : vector<1x1x1024xf32> to vector<1x1024xf32>
      %swap3A_1003 = vector.shape_cast %broadcast_in_dim3A_997 : vector<1x1024xf32> to vector<1x1x1024xf32>
      tpu.vector_store %arg9[%swap3A_998, %swap3A_999, %swap3A_1000], %swap3A_1003 {strides = array<i32>} : memref<16x1x1024xf32, #tpu.memory_space<vmem>>, vector<1x1x1024xf32>,
      %get3A_1004 = arith.constant 8 : index
      %get3A_1005 = arith.constant 0 : index
      %get3A_1006 = arith.constant 0 : index
      %get3A_1007 = vector.load %arg2[%get3A_1004, %get3A_1005, %get3A_1006] : memref<16x1024x64xf32, #tpu.memory_space<vmem>>, vector<1x1024x64xf32>
      %get3A_1008 = vector.shape_cast %get3A_1007 : vector<1x1024x64xf32> to vector<1024x64xf32>
      %mul3A_1009 = arith.mulf %get3A_1008, %get3A_1008 : vector<1024x64xf32>
      %reduce_sum3A_1010 = arith.constant dense<0.000000e+00> : vector<1024xf32>
      %reduce_sum3A_1011 = vector.multi_reduction <add>, %mul3A_1009, %reduce_sum3A_1010 [1] : vector<1024x64xf32> to vector<1024xf32>
      %broadcast_in_dim3A_1012 = vector.shape_cast %reduce_sum3A_1011 : vector<1024xf32> to vector<1x1024xf32>
      %swap3A_1013 = arith.constant 8 : index
      %swap3A_1014 = arith.constant 0 : index
      %swap3A_1015 = arith.constant 0 : index
      %swap3A_1016 = vector.load %arg9[%swap3A_1013, %swap3A_1014, %swap3A_1015] : memref<16x1x1024xf32, #tpu.memory_space<vmem>>, vector<1x1x1024xf32>
      %swap3A_1017 = vector.shape_cast %swap3A_1016 : vector<1x1x1024xf32> to vector<1x1024xf32>
      %swap3A_1018 = vector.shape_cast %broadcast_in_dim3A_1012 : vector<1x1024xf32> to vector<1x1x1024xf32>
      tpu.vector_store %arg9[%swap3A_1013, %swap3A_1014, %swap3A_1015], %swap3A_1018 {strides = array<i32>} : memref<16x1x1024xf32, #tpu.memory_space<vmem>>, vector<1x1x1024xf32>,
      %get3A_1019 = arith.constant 9 : index
      %get3A_1020 = arith.constant 0 : index
      %get3A_1021 = arith.constant 0 : index
      %get3A_1022 = vector.load %arg2[%get3A_1019, %get3A_1020, %get3A_1021] : memref<16x1024x64xf32, #tpu.memory_space<vmem>>, vector<1x1024x64xf32>
      %get3A_1023 = vector.shape_cast %get3A_1022 : vector<1x1024x64xf32> to vector<1024x64xf32>
      %mul3A_1024 = arith.mulf %get3A_1023, %get3A_1023 : vector<1024x64xf32>
      %reduce_sum3A_1025 = arith.constant dense<0.000000e+00> : vector<1024xf32>
      %reduce_sum3A_1026 = vector.multi_reduction <add>, %mul3A_1024, %reduce_sum3A_1025 [1] : vector<1024x64xf32> to vector<1024xf32>
      %broadcast_in_dim3A_1027 = vector.shape_cast %reduce_sum3A_1026 : vector<1024xf32> to vector<1x1024xf32>
      %swap3A_1028 = arith.constant 9 : index
      %swap3A_1029 = arith.constant 0 : index
      %swap3A_1030 = arith.constant 0 : index
      %swap3A_1031 = vector.load %arg9[%swap3A_1028, %swap3A_1029, %swap3A_1030] : memref<16x1x1024xf32, #tpu.memory_space<vmem>>, vector<1x1x1024xf32>
      %swap3A_1032 = vector.shape_cast %swap3A_1031 : vector<1x1x1024xf32> to vector<1x1024xf32>
      %swap3A_1033 = vector.shape_cast %broadcast_in_dim3A_1027 : vector<1x1024xf32> to vector<1x1x1024xf32>
      tpu.vector_store %arg9[%swap3A_1028, %swap3A_1029, %swap3A_1030], %swap3A_1033 {strides = array<i32>} : memref<16x1x1024xf32, #tpu.memory_space<vmem>>, vector<1x1x1024xf32>,
      %get3A_1034 = arith.constant 10 : index
      %get3A_1035 = arith.constant 0 : index
      %get3A_1036 = arith.constant 0 : index
      %get3A_1037 = vector.load %arg2[%get3A_1034, %get3A_1035, %get3A_1036] : memref<16x1024x64xf32, #tpu.memory_space<vmem>>, vector<1x1024x64xf32>
      %get3A_1038 = vector.shape_cast %get3A_1037 : vector<1x1024x64xf32> to vector<1024x64xf32>
      %mul3A_1039 = arith.mulf %get3A_1038, %get3A_1038 : vector<1024x64xf32>
      %reduce_sum3A_1040 = arith.constant dense<0.000000e+00> : vector<1024xf32>
      %reduce_sum3A_1041 = vector.multi_reduction <add>, %mul3A_1039, %reduce_sum3A_1040 [1] : vector<1024x64xf32> to vector<1024xf32>
      %broadcast_in_dim3A_1042 = vector.shape_cast %reduce_sum3A_1041 : vector<1024xf32> to vector<1x1024xf32>
      %swap3A_1043 = arith.constant 10 : index
      %swap3A_1044 = arith.constant 0 : index
      %swap3A_1045 = arith.constant 0 : index
      %swap3A_1046 = vector.load %arg9[%swap3A_1043, %swap3A_1044, %swap3A_1045] : memref<16x1x1024xf32, #tpu.memory_space<vmem>>, vector<1x1x1024xf32>
      %swap3A_1047 = vector.shape_cast %swap3A_1046 : vector<1x1x1024xf32> to vector<1x1024xf32>
      %swap3A_1048 = vector.shape_cast %broadcast_in_dim3A_1042 : vector<1x1024xf32> to vector<1x1x1024xf32>
      tpu.vector_store %arg9[%swap3A_1043, %swap3A_1044, %swap3A_1045], %swap3A_1048 {strides = array<i32>} : memref<16x1x1024xf32, #tpu.memory_space<vmem>>, vector<1x1x1024xf32>,
      %get3A_1049 = arith.constant 11 : index
      %get3A_1050 = arith.constant 0 : index
      %get3A_1051 = arith.constant 0 : index
      %get3A_1052 = vector.load %arg2[%get3A_1049, %get3A_1050, %get3A_1051] : memref<16x1024x64xf32, #tpu.memory_space<vmem>>, vector<1x1024x64xf32>
      %get3A_1053 = vector.shape_cast %get3A_1052 : vector<1x1024x64xf32> to vector<1024x64xf32>
      %mul3A_1054 = arith.mulf %get3A_1053, %get3A_1053 : vector<1024x64xf32>
      %reduce_sum3A_1055 = arith.constant dense<0.000000e+00> : vector<1024xf32>
      %reduce_sum3A_1056 = vector.multi_reduction <add>, %mul3A_1054, %reduce_sum3A_1055 [1] : vector<1024x64xf32> to vector<1024xf32>
      %broadcast_in_dim3A_1057 = vector.shape_cast %reduce_sum3A_1056 : vector<1024xf32> to vector<1x1024xf32>
      %swap3A_1058 = arith.constant 11 : index
      %swap3A_1059 = arith.constant 0 : index
      %swap3A_1060 = arith.constant 0 : index
      %swap3A_1061 = vector.load %arg9[%swap3A_1058, %swap3A_1059, %swap3A_1060] : memref<16x1x1024xf32, #tpu.memory_space<vmem>>, vector<1x1x1024xf32>
      %swap3A_1062 = vector.shape_cast %swap3A_1061 : vector<1x1x1024xf32> to vector<1x1024xf32>
      %swap3A_1063 = vector.shape_cast %broadcast_in_dim3A_1057 : vector<1x1024xf32> to vector<1x1x1024xf32>
      tpu.vector_store %arg9[%swap3A_1058, %swap3A_1059, %swap3A_1060], %swap3A_1063 {strides = array<i32>} : memref<16x1x1024xf32, #tpu.memory_space<vmem>>, vector<1x1x1024xf32>,
      %get3A_1064 = arith.constant 12 : index
      %get3A_1065 = arith.constant 0 : index
      %get3A_1066 = arith.constant 0 : index
      %get3A_1067 = vector.load %arg2[%get3A_1064, %get3A_1065, %get3A_1066] : memref<16x1024x64xf32, #tpu.memory_space<vmem>>, vector<1x1024x64xf32>
      %get3A_1068 = vector.shape_cast %get3A_1067 : vector<1x1024x64xf32> to vector<1024x64xf32>
      %mul3A_1069 = arith.mulf %get3A_1068, %get3A_1068 : vector<1024x64xf32>
      %reduce_sum3A_1070 = arith.constant dense<0.000000e+00> : vector<1024xf32>
      %reduce_sum3A_1071 = vector.multi_reduction <add>, %mul3A_1069, %reduce_sum3A_1070 [1] : vector<1024x64xf32> to vector<1024xf32>
      %broadcast_in_dim3A_1072 = vector.shape_cast %reduce_sum3A_1071 : vector<1024xf32> to vector<1x1024xf32>
      %swap3A_1073 = arith.constant 12 : index
      %swap3A_1074 = arith.constant 0 : index
      %swap3A_1075 = arith.constant 0 : index
      %swap3A_1076 = vector.load %arg9[%swap3A_1073, %swap3A_1074, %swap3A_1075] : memref<16x1x1024xf32, #tpu.memory_space<vmem>>, vector<1x1x1024xf32>
      %swap3A_1077 = vector.shape_cast %swap3A_1076 : vector<1x1x1024xf32> to vector<1x1024xf32>
      %swap3A_1078 = vector.shape_cast %broadcast_in_dim3A_1072 : vector<1x1024xf32> to vector<1x1x1024xf32>
      tpu.vector_store %arg9[%swap3A_1073, %swap3A_1074, %swap3A_1075], %swap3A_1078 {strides = array<i32>} : memref<16x1x1024xf32, #tpu.memory_space<vmem>>, vector<1x1x1024xf32>,
      %get3A_1079 = arith.constant 13 : index
      %get3A_1080 = arith.constant 0 : index
      %get3A_1081 = arith.constant 0 : index
      %get3A_1082 = vector.load %arg2[%get3A_1079, %get3A_1080, %get3A_1081] : memref<16x1024x64xf32, #tpu.memory_space<vmem>>, vector<1x1024x64xf32>
      %get3A_1083 = vector.shape_cast %get3A_1082 : vector<1x1024x64xf32> to vector<1024x64xf32>
      %mul3A_1084 = arith.mulf %get3A_1083, %get3A_1083 : vector<1024x64xf32>
      %reduce_sum3A_1085 = arith.constant dense<0.000000e+00> : vector<1024xf32>
      %reduce_sum3A_1086 = vector.multi_reduction <add>, %mul3A_1084, %reduce_sum3A_1085 [1] : vector<1024x64xf32> to vector<1024xf32>
      %broadcast_in_dim3A_1087 = vector.shape_cast %reduce_sum3A_1086 : vector<1024xf32> to vector<1x1024xf32>
      %swap3A_1088 = arith.constant 13 : index
      %swap3A_1089 = arith.constant 0 : index
      %swap3A_1090 = arith.constant 0 : index
      %swap3A_1091 = vector.load %arg9[%swap3A_1088, %swap3A_1089, %swap3A_1090] : memref<16x1x1024xf32, #tpu.memory_space<vmem>>, vector<1x1x1024xf32>
      %swap3A_1092 = vector.shape_cast %swap3A_1091 : vector<1x1x1024xf32> to vector<1x1024xf32>
      %swap3A_1093 = vector.shape_cast %broadcast_in_dim3A_1087 : vector<1x1024xf32> to vector<1x1x1024xf32>
      tpu.vector_store %arg9[%swap3A_1088, %swap3A_1089, %swap3A_1090], %swap3A_1093 {strides = array<i32>} : memref<16x1x1024xf32, #tpu.memory_space<vmem>>, vector<1x1x1024xf32>,
      %get3A_1094 = arith.constant 14 : index
      %get3A_1095 = arith.constant 0 : index
      %get3A_1096 = arith.constant 0 : index
      %get3A_1097 = vector.load %arg2[%get3A_1094, %get3A_1095, %get3A_1096] : memref<16x1024x64xf32, #tpu.memory_space<vmem>>, vector<1x1024x64xf32>
      %get3A_1098 = vector.shape_cast %get3A_1097 : vector<1x1024x64xf32> to vector<1024x64xf32>
      %mul3A_1099 = arith.mulf %get3A_1098, %get3A_1098 : vector<1024x64xf32>
      %reduce_sum3A_1100 = arith.constant dense<0.000000e+00> : vector<1024xf32>
      %reduce_sum3A_1101 = vector.multi_reduction <add>, %mul3A_1099, %reduce_sum3A_1100 [1] : vector<1024x64xf32> to vector<1024xf32>
      %broadcast_in_dim3A_1102 = vector.shape_cast %reduce_sum3A_1101 : vector<1024xf32> to vector<1x1024xf32>
      %swap3A_1103 = arith.constant 14 : index
      %swap3A_1104 = arith.constant 0 : index
      %swap3A_1105 = arith.constant 0 : index
      %swap3A_1106 = vector.load %arg9[%swap3A_1103, %swap3A_1104, %swap3A_1105] : memref<16x1x1024xf32, #tpu.memory_space<vmem>>, vector<1x1x1024xf32>
      %swap3A_1107 = vector.shape_cast %swap3A_1106 : vector<1x1x1024xf32> to vector<1x1024xf32>
      %swap3A_1108 = vector.shape_cast %broadcast_in_dim3A_1102 : vector<1x1024xf32> to vector<1x1x1024xf32>
      tpu.vector_store %arg9[%swap3A_1103, %swap3A_1104, %swap3A_1105], %swap3A_1108 {strides = array<i32>} : memref<16x1x1024xf32, #tpu.memory_space<vmem>>, vector<1x1x1024xf32>,
      %get3A_1109 = arith.constant 15 : index
      %get3A_1110 = arith.constant 0 : index
      %get3A_1111 = arith.constant 0 : index
      %get3A_1112 = vector.load %arg2[%get3A_1109, %get3A_1110, %get3A_1111] : memref<16x1024x64xf32, #tpu.memory_space<vmem>>, vector<1x1024x64xf32>
      %get3A_1113 = vector.shape_cast %get3A_1112 : vector<1x1024x64xf32> to vector<1024x64xf32>
      %mul3A_1114 = arith.mulf %get3A_1113, %get3A_1113 : vector<1024x64xf32>
      %reduce_sum3A_1115 = arith.constant dense<0.000000e+00> : vector<1024xf32>
      %reduce_sum3A_1116 = vector.multi_reduction <add>, %mul3A_1114, %reduce_sum3A_1115 [1] : vector<1024x64xf32> to vector<1024xf32>
      %broadcast_in_dim3A_1117 = vector.shape_cast %reduce_sum3A_1116 : vector<1024xf32> to vector<1x1024xf32>
      %swap3A_1118 = arith.constant 15 : index
      %swap3A_1119 = arith.constant 0 : index
      %swap3A_1120 = arith.constant 0 : index
      %swap3A_1121 = vector.load %arg9[%swap3A_1118, %swap3A_1119, %swap3A_1120] : memref<16x1x1024xf32, #tpu.memory_space<vmem>>, vector<1x1x1024xf32>
      %swap3A_1122 = vector.shape_cast %swap3A_1121 : vector<1x1x1024xf32> to vector<1x1024xf32>
      %swap3A_1123 = vector.shape_cast %broadcast_in_dim3A_1117 : vector<1x1024xf32> to vector<1x1x1024xf32>
      tpu.vector_store %arg9[%swap3A_1118, %swap3A_1119, %swap3A_1120], %swap3A_1123 {strides = array<i32>} : memref<16x1x1024xf32, #tpu.memory_space<vmem>>, vector<1x1x1024xf32>,
    } else {
    }
    %get3A = arith.constant 0 : index
    %get3A_2 = arith.constant 0 : index
    %get3A_3 = vector.load %arg1[%get3A, %get3A_2] : memref<512x1024xf32, #tpu.memory_space<vmem>>, vector<512x1024xf32>
    %mul3A = arith.constant -2.000000e+00 : f32
    %mul3A_4 = vector.broadcast %mul3A : f32 to vector<512x1024xf32>
    %mul3A_5 = arith.mulf %get3A_3, %mul3A_4 : vector<512x1024xf32>
    %broadcast_in_dim3A = arith.constant 0.000000e+00 : f32
    %broadcast_in_dim3A_6 = vector.broadcast %broadcast_in_dim3A : f32 to vector<1x1xf32>
    %broadcast_in_dim3A_7 = arith.constant 0.000000e+00 : f32
    %broadcast_in_dim3A_8 = vector.broadcast %broadcast_in_dim3A_7 : f32 to vector<1x1024xf32>
    %broadcast_in_dim3A_9 = arith.constant 1.000000e+00 : f32
    %broadcast_in_dim3A_10 = vector.broadcast %broadcast_in_dim3A_9 : f32 to vector<1x512xf32>
    %slice3A = vector.extract_strided_slice %get3A_3 {offsets = [0, 0], sizes = [512, 64], strides = [1, 1]} : vector<512x1024xf32> to vector<512x64xf32>
    %slice3A_11 = vector.extract_strided_slice %mul3A_5 {offsets = [0, 0], sizes = [512, 64], strides = [1, 1]} : vector<512x1024xf32> to vector<512x64xf32>
    %get3A_12 = arith.constant 0 : index
    %get3A_13 = arith.constant 0 : index
    %get3A_14 = arith.constant 0 : index
    %get3A_15 = vector.load %arg2[%get3A_12, %get3A_13, %get3A_14] : memref<16x1024x64xf32, #tpu.memory_space<vmem>>, vector<1x1024x64xf32>
    %get3A_16 = vector.shape_cast %get3A_15 : vector<1x1024x64xf32> to vector<1024x64xf32>
    %dot_general3A = arith.constant dense<0.000000e+00> : vector<512x1024xf32>
    %dot_general3A_17 = tpu.matmul %slice3A_11, %get3A_16, %dot_general3A {dimension_numbers = #tpu.dot_dimension_numbers<[1], [1], [0], [0], [0, 0, 1, 0], [], []>, transpose_lhs_hint = false} : vector<512x64xf32>, vector<1024x64xf32>, vector<512x1024xf32> -> vector<512x1024xf32>
    %mul3A_18 = arith.mulf %slice3A, %slice3A : vector<512x64xf32>
    %reduce_sum3A = arith.constant dense<0.000000e+00> : vector<512xf32>
    %reduce_sum3A_19 = vector.multi_reduction <add>, %mul3A_18, %reduce_sum3A [1] : vector<512x64xf32> to vector<512xf32>
    %broadcast_in_dim3A_20 = vector.shape_cast %reduce_sum3A_19 : vector<512xf32> to vector<512x1xf32>
    %add3A = vector.broadcast %broadcast_in_dim3A_20 : vector<512x1xf32> to vector<512x1024xf32>
    %add3A_21 = arith.addf %add3A, %dot_general3A_17 : vector<512x1024xf32>
    %get3A_22 = arith.constant 0 : index
    %get3A_23 = arith.constant 0 : index
    %get3A_24 = arith.constant 0 : index
    %get3A_25 = vector.load %arg9[%get3A_22, %get3A_23, %get3A_24] : memref<16x1x1024xf32, #tpu.memory_space<vmem>>, vector<1x1x1024xf32>
    %get3A_26 = vector.shape_cast %get3A_25 : vector<1x1x1024xf32> to vector<1x1024xf32>
    %add3A_27 = vector.broadcast %get3A_26 : vector<1x1024xf32> to vector<512x1024xf32>
    %add3A_28 = arith.addf %add3A_21, %add3A_27 : vector<512x1024xf32>
    %reduce_min3A = arith.constant dense<0x7F800000> : vector<512xf32>
    %reduce_min3A_29 = vector.multi_reduction <minimumf>, %add3A_28, %reduce_min3A [1] : vector<512x1024xf32> to vector<512xf32>
    %broadcast_in_dim3A_30 = vector.shape_cast %reduce_min3A_29 : vector<512xf32> to vector<512x1xf32>
    %le3A = vector.broadcast %broadcast_in_dim3A_30 : vector<512x1xf32> to vector<512x1024xf32>
    %le3A_31 = arith.cmpf ole, %add3A_28, %le3A : vector<512x1024xf32>
    %iota3A = tpu.iota {dimensions = array<i32: 1>} : vector<512x1024xi32>
    %jit3A = arith.constant 1024 : i32
    %broadcast_in_dim3A_32 = vector.broadcast %jit3A : i32 to vector<512x1024xi32>
    %select_n3A = arith.select %le3A_31, %iota3A, %broadcast_in_dim3A_32 : vector<512x1024xi1>, vector<512x1024xi32>
    %reduce_min3A_33 = arith.constant dense<2147483647> : vector<512xi32>
    %reduce_min3A_34 = vector.multi_reduction <minsi>, %select_n3A, %reduce_min3A_33 [1] : vector<512x1024xi32> to vector<512xi32>
    %jit3A_35 = arith.constant 1.000000e+00 : f32
    %jit3A_36 = arith.constant 0.000000e+00 : f32
    %broadcast_in_dim3A_37 = vector.broadcast %jit3A_35 : f32 to vector<512x1024xf32>
    %broadcast_in_dim3A_38 = vector.broadcast %jit3A_36 : f32 to vector<512x1024xf32>
    %select_n3A_39 = arith.select %le3A_31, %broadcast_in_dim3A_37, %broadcast_in_dim3A_38 : vector<512x1024xi1>, vector<512x1024xf32>
    %dot_general3A_40 = arith.constant dense<0.000000e+00> : vector<1x1024xf32>
    %dot_general3A_41 = tpu.matmul %broadcast_in_dim3A_10, %select_n3A_39, %dot_general3A_40 {dimension_numbers = #tpu.dot_dimension_numbers<[1], [0], [0], [1], [0, 0, 1, 1], [], []>, transpose_lhs_hint = false} : vector<1x512xf32>, vector<512x1024xf32>, vector<1x1024xf32> -> vector<1x1024xf32>
    %add3A_42 = arith.addf %broadcast_in_dim3A_8, %dot_general3A_41 : vector<1x1024xf32>
    %reduce_sum3A_43 = vector.shape_cast %broadcast_in_dim3A_30 : vector<512x1xf32> to vector<1x512x1xf32>
    %reduce_sum3A_44 = arith.constant dense<0.000000e+00> : vector<1xf32>
    %reduce_sum3A_45 = vector.multi_reduction <add>, %reduce_sum3A_43, %reduce_sum3A_44 [1, 2] : vector<1x512x1xf32> to vector<1xf32>
    %reduce_sum3A_46 = vector.shape_cast %reduce_sum3A_45 : vector<1xf32> to vector<1x1x1xf32>
    %reduce_sum3A_47 = vector.extract %reduce_sum3A_46[0, 0, 0] : f32 from vector<1x1x1xf32>
    %reshape3A = vector.broadcast %reduce_sum3A_47 : f32 to vector<1x1xf32>
    %add3A_48 = arith.addf %broadcast_in_dim3A_6, %reshape3A : vector<1x1xf32>
    %broadcast_in_dim3A_49 = vector.shape_cast %reduce_min3A_34 : vector<512xi32> to vector<512x1xi32>
    %broadcast_in_dim3A_50 = vector.shape_cast %reduce_min3A_34 : vector<512xi32> to vector<512x1xi32>
    %add3A_51 = arith.constant 0 : i32
    %add3A_52 = vector.broadcast %add3A_51 : i32 to vector<512x1xi32>
    %add3A_53 = arith.addi %broadcast_in_dim3A_50, %add3A_52 : vector<512x1xi32>
    %slice3A_54 = vector.extract_strided_slice %get3A_3 {offsets = [0, 64], sizes = [512, 64], strides = [1, 1]} : vector<512x1024xf32> to vector<512x64xf32>
    %slice3A_55 = vector.extract_strided_slice %mul3A_5 {offsets = [0, 64], sizes = [512, 64], strides = [1, 1]} : vector<512x1024xf32> to vector<512x64xf32>
    %get3A_56 = arith.constant 1 : index
    %get3A_57 = arith.constant 0 : index
    %get3A_58 = arith.constant 0 : index
    %get3A_59 = vector.load %arg2[%get3A_56, %get3A_57, %get3A_58] : memref<16x1024x64xf32, #tpu.memory_space<vmem>>, vector<1x1024x64xf32>
    %get3A_60 = vector.shape_cast %get3A_59 : vector<1x1024x64xf32> to vector<1024x64xf32>
    %dot_general3A_61 = arith.constant dense<0.000000e+00> : vector<512x1024xf32>
    %dot_general3A_62 = tpu.matmul %slice3A_55, %get3A_60, %dot_general3A_61 {dimension_numbers = #tpu.dot_dimension_numbers<[1], [1], [0], [0], [0, 0, 1, 0], [], []>, transpose_lhs_hint = false} : vector<512x64xf32>, vector<1024x64xf32>, vector<512x1024xf32> -> vector<512x1024xf32>
    %mul3A_63 = arith.mulf %slice3A_54, %slice3A_54 : vector<512x64xf32>
    %reduce_sum3A_64 = arith.constant dense<0.000000e+00> : vector<512xf32>
    %reduce_sum3A_65 = vector.multi_reduction <add>, %mul3A_63, %reduce_sum3A_64 [1] : vector<512x64xf32> to vector<512xf32>
    %broadcast_in_dim3A_66 = vector.shape_cast %reduce_sum3A_65 : vector<512xf32> to vector<512x1xf32>
    %add3A_67 = vector.broadcast %broadcast_in_dim3A_66 : vector<512x1xf32> to vector<512x1024xf32>
    %add3A_68 = arith.addf %add3A_67, %dot_general3A_62 : vector<512x1024xf32>
    %get3A_69 = arith.constant 1 : index
    %get3A_70 = arith.constant 0 : index
    %get3A_71 = arith.constant 0 : index
    %get3A_72 = vector.load %arg9[%get3A_69, %get3A_70, %get3A_71] : memref<16x1x1024xf32, #tpu.memory_space<vmem>>, vector<1x1x1024xf32>
    %get3A_73 = vector.shape_cast %get3A_72 : vector<1x1x1024xf32> to vector<1x1024xf32>
    %add3A_74 = vector.broadcast %get3A_73 : vector<1x1024xf32> to vector<512x1024xf32>
    %add3A_75 = arith.addf %add3A_68, %add3A_74 : vector<512x1024xf32>
    %reduce_min3A_76 = arith.constant dense<0x7F800000> : vector<512xf32>
    %reduce_min3A_77 = vector.multi_reduction <minimumf>, %add3A_75, %reduce_min3A_76 [1] : vector<512x1024xf32> to vector<512xf32>
    %broadcast_in_dim3A_78 = vector.shape_cast %reduce_min3A_77 : vector<512xf32> to vector<512x1xf32>
    %le3A_79 = vector.broadcast %broadcast_in_dim3A_78 : vector<512x1xf32> to vector<512x1024xf32>
    %le3A_80 = arith.cmpf ole, %add3A_75, %le3A_79 : vector<512x1024xf32>
    %iota3A_81 = tpu.iota {dimensions = array<i32: 1>} : vector<512x1024xi32>
    %jit3A_82 = arith.constant 1024 : i32
    %broadcast_in_dim3A_83 = vector.broadcast %jit3A_82 : i32 to vector<512x1024xi32>
    %select_n3A_84 = arith.select %le3A_80, %iota3A_81, %broadcast_in_dim3A_83 : vector<512x1024xi1>, vector<512x1024xi32>
    %reduce_min3A_85 = arith.constant dense<2147483647> : vector<512xi32>
    %reduce_min3A_86 = vector.multi_reduction <minsi>, %select_n3A_84, %reduce_min3A_85 [1] : vector<512x1024xi32> to vector<512xi32>
    %jit3A_87 = arith.constant 1.000000e+00 : f32
    %jit3A_88 = arith.constant 0.000000e+00 : f32
    %broadcast_in_dim3A_89 = vector.broadcast %jit3A_87 : f32 to vector<512x1024xf32>
    %broadcast_in_dim3A_90 = vector.broadcast %jit3A_88 : f32 to vector<512x1024xf32>
    %select_n3A_91 = arith.select %le3A_80, %broadcast_in_dim3A_89, %broadcast_in_dim3A_90 : vector<512x1024xi1>, vector<512x1024xf32>
    %dot_general3A_92 = arith.constant dense<0.000000e+00> : vector<1x1024xf32>
    %dot_general3A_93 = tpu.matmul %broadcast_in_dim3A_10, %select_n3A_91, %dot_general3A_92 {dimension_numbers = #tpu.dot_dimension_numbers<[1], [0], [0], [1], [0, 0, 1, 1], [], []>, transpose_lhs_hint = false} : vector<1x512xf32>, vector<512x1024xf32>, vector<1x1024xf32> -> vector<1x1024xf32>
    %add3A_94 = arith.addf %add3A_42, %dot_general3A_93 : vector<1x1024xf32>
    %reduce_sum3A_95 = vector.shape_cast %broadcast_in_dim3A_78 : vector<512x1xf32> to vector<1x512x1xf32>
    %reduce_sum3A_96 = arith.constant dense<0.000000e+00> : vector<1xf32>
    %reduce_sum3A_97 = vector.multi_reduction <add>, %reduce_sum3A_95, %reduce_sum3A_96 [1, 2] : vector<1x512x1xf32> to vector<1xf32>
    %reduce_sum3A_98 = vector.shape_cast %reduce_sum3A_97 : vector<1xf32> to vector<1x1x1xf32>
    %reduce_sum3A_99 = vector.extract %reduce_sum3A_98[0, 0, 0] : f32 from vector<1x1x1xf32>
    %reshape3A_100 = vector.broadcast %reduce_sum3A_99 : f32 to vector<1x1xf32>
    %add3A_101 = arith.addf %add3A_48, %reshape3A_100 : vector<1x1xf32>
    %broadcast_in_dim3A_102 = vector.shape_cast %reduce_min3A_86 : vector<512xi32> to vector<512x1xi32>
    %broadcast_in_dim3A_103 = vector.shape_cast %reduce_min3A_86 : vector<512xi32> to vector<512x1xi32>
    %add3A_104 = arith.constant 1024 : i32
    %add3A_105 = vector.broadcast %add3A_104 : i32 to vector<512x1xi32>
    %add3A_106 = arith.addi %broadcast_in_dim3A_103, %add3A_105 : vector<512x1xi32>
    %slice3A_107 = vector.extract_strided_slice %get3A_3 {offsets = [0, 128], sizes = [512, 64], strides = [1, 1]} : vector<512x1024xf32> to vector<512x64xf32>
    %slice3A_108 = vector.extract_strided_slice %mul3A_5 {offsets = [0, 128], sizes = [512, 64], strides = [1, 1]} : vector<512x1024xf32> to vector<512x64xf32>
    %get3A_109 = arith.constant 2 : index
    %get3A_110 = arith.constant 0 : index
    %get3A_111 = arith.constant 0 : index
    %get3A_112 = vector.load %arg2[%get3A_109, %get3A_110, %get3A_111] : memref<16x1024x64xf32, #tpu.memory_space<vmem>>, vector<1x1024x64xf32>
    %get3A_113 = vector.shape_cast %get3A_112 : vector<1x1024x64xf32> to vector<1024x64xf32>
    %dot_general3A_114 = arith.constant dense<0.000000e+00> : vector<512x1024xf32>
    %dot_general3A_115 = tpu.matmul %slice3A_108, %get3A_113, %dot_general3A_114 {dimension_numbers = #tpu.dot_dimension_numbers<[1], [1], [0], [0], [0, 0, 1, 0], [], []>, transpose_lhs_hint = false} : vector<512x64xf32>, vector<1024x64xf32>, vector<512x1024xf32> -> vector<512x1024xf32>
    %mul3A_116 = arith.mulf %slice3A_107, %slice3A_107 : vector<512x64xf32>
    %reduce_sum3A_117 = arith.constant dense<0.000000e+00> : vector<512xf32>
    %reduce_sum3A_118 = vector.multi_reduction <add>, %mul3A_116, %reduce_sum3A_117 [1] : vector<512x64xf32> to vector<512xf32>
    %broadcast_in_dim3A_119 = vector.shape_cast %reduce_sum3A_118 : vector<512xf32> to vector<512x1xf32>
    %add3A_120 = vector.broadcast %broadcast_in_dim3A_119 : vector<512x1xf32> to vector<512x1024xf32>
    %add3A_121 = arith.addf %add3A_120, %dot_general3A_115 : vector<512x1024xf32>
    %get3A_122 = arith.constant 2 : index
    %get3A_123 = arith.constant 0 : index
    %get3A_124 = arith.constant 0 : index
    %get3A_125 = vector.load %arg9[%get3A_122, %get3A_123, %get3A_124] : memref<16x1x1024xf32, #tpu.memory_space<vmem>>, vector<1x1x1024xf32>
    %get3A_126 = vector.shape_cast %get3A_125 : vector<1x1x1024xf32> to vector<1x1024xf32>
    %add3A_127 = vector.broadcast %get3A_126 : vector<1x1024xf32> to vector<512x1024xf32>
    %add3A_128 = arith.addf %add3A_121, %add3A_127 : vector<512x1024xf32>
    %reduce_min3A_129 = arith.constant dense<0x7F800000> : vector<512xf32>
    %reduce_min3A_130 = vector.multi_reduction <minimumf>, %add3A_128, %reduce_min3A_129 [1] : vector<512x1024xf32> to vector<512xf32>
    %broadcast_in_dim3A_131 = vector.shape_cast %reduce_min3A_130 : vector<512xf32> to vector<512x1xf32>
    %le3A_132 = vector.broadcast %broadcast_in_dim3A_131 : vector<512x1xf32> to vector<512x1024xf32>
    %le3A_133 = arith.cmpf ole, %add3A_128, %le3A_132 : vector<512x1024xf32>
    %iota3A_134 = tpu.iota {dimensions = array<i32: 1>} : vector<512x1024xi32>
    %jit3A_135 = arith.constant 1024 : i32
    %broadcast_in_dim3A_136 = vector.broadcast %jit3A_135 : i32 to vector<512x1024xi32>
    %select_n3A_137 = arith.select %le3A_133, %iota3A_134, %broadcast_in_dim3A_136 : vector<512x1024xi1>, vector<512x1024xi32>
    %reduce_min3A_138 = arith.constant dense<2147483647> : vector<512xi32>
    %reduce_min3A_139 = vector.multi_reduction <minsi>, %select_n3A_137, %reduce_min3A_138 [1] : vector<512x1024xi32> to vector<512xi32>
    %jit3A_140 = arith.constant 1.000000e+00 : f32
    %jit3A_141 = arith.constant 0.000000e+00 : f32
    %broadcast_in_dim3A_142 = vector.broadcast %jit3A_140 : f32 to vector<512x1024xf32>
    %broadcast_in_dim3A_143 = vector.broadcast %jit3A_141 : f32 to vector<512x1024xf32>
    %select_n3A_144 = arith.select %le3A_133, %broadcast_in_dim3A_142, %broadcast_in_dim3A_143 : vector<512x1024xi1>, vector<512x1024xf32>
    %dot_general3A_145 = arith.constant dense<0.000000e+00> : vector<1x1024xf32>
    %dot_general3A_146 = tpu.matmul %broadcast_in_dim3A_10, %select_n3A_144, %dot_general3A_145 {dimension_numbers = #tpu.dot_dimension_numbers<[1], [0], [0], [1], [0, 0, 1, 1], [], []>, transpose_lhs_hint = false} : vector<1x512xf32>, vector<512x1024xf32>, vector<1x1024xf32> -> vector<1x1024xf32>
    %add3A_147 = arith.addf %add3A_94, %dot_general3A_146 : vector<1x1024xf32>
    %reduce_sum3A_148 = vector.shape_cast %broadcast_in_dim3A_131 : vector<512x1xf32> to vector<1x512x1xf32>
    %reduce_sum3A_149 = arith.constant dense<0.000000e+00> : vector<1xf32>
    %reduce_sum3A_150 = vector.multi_reduction <add>, %reduce_sum3A_148, %reduce_sum3A_149 [1, 2] : vector<1x512x1xf32> to vector<1xf32>
    %reduce_sum3A_151 = vector.shape_cast %reduce_sum3A_150 : vector<1xf32> to vector<1x1x1xf32>
    %reduce_sum3A_152 = vector.extract %reduce_sum3A_151[0, 0, 0] : f32 from vector<1x1x1xf32>
    %reshape3A_153 = vector.broadcast %reduce_sum3A_152 : f32 to vector<1x1xf32>
    %add3A_154 = arith.addf %add3A_101, %reshape3A_153 : vector<1x1xf32>
    %broadcast_in_dim3A_155 = vector.shape_cast %reduce_min3A_139 : vector<512xi32> to vector<512x1xi32>
    %broadcast_in_dim3A_156 = vector.shape_cast %reduce_min3A_139 : vector<512xi32> to vector<512x1xi32>
    %add3A_157 = arith.constant 2048 : i32
    %add3A_158 = vector.broadcast %add3A_157 : i32 to vector<512x1xi32>
    %add3A_159 = arith.addi %broadcast_in_dim3A_156, %add3A_158 : vector<512x1xi32>
    %slice3A_160 = vector.extract_strided_slice %get3A_3 {offsets = [0, 192], sizes = [512, 64], strides = [1, 1]} : vector<512x1024xf32> to vector<512x64xf32>
    %slice3A_161 = vector.extract_strided_slice %mul3A_5 {offsets = [0, 192], sizes = [512, 64], strides = [1, 1]} : vector<512x1024xf32> to vector<512x64xf32>
    %get3A_162 = arith.constant 3 : index
    %get3A_163 = arith.constant 0 : index
    %get3A_164 = arith.constant 0 : index
    %get3A_165 = vector.load %arg2[%get3A_162, %get3A_163, %get3A_164] : memref<16x1024x64xf32, #tpu.memory_space<vmem>>, vector<1x1024x64xf32>
    %get3A_166 = vector.shape_cast %get3A_165 : vector<1x1024x64xf32> to vector<1024x64xf32>
    %dot_general3A_167 = arith.constant dense<0.000000e+00> : vector<512x1024xf32>
    %dot_general3A_168 = tpu.matmul %slice3A_161, %get3A_166, %dot_general3A_167 {dimension_numbers = #tpu.dot_dimension_numbers<[1], [1], [0], [0], [0, 0, 1, 0], [], []>, transpose_lhs_hint = false} : vector<512x64xf32>, vector<1024x64xf32>, vector<512x1024xf32> -> vector<512x1024xf32>
    %mul3A_169 = arith.mulf %slice3A_160, %slice3A_160 : vector<512x64xf32>
    %reduce_sum3A_170 = arith.constant dense<0.000000e+00> : vector<512xf32>
    %reduce_sum3A_171 = vector.multi_reduction <add>, %mul3A_169, %reduce_sum3A_170 [1] : vector<512x64xf32> to vector<512xf32>
    %broadcast_in_dim3A_172 = vector.shape_cast %reduce_sum3A_171 : vector<512xf32> to vector<512x1xf32>
    %add3A_173 = vector.broadcast %broadcast_in_dim3A_172 : vector<512x1xf32> to vector<512x1024xf32>
    %add3A_174 = arith.addf %add3A_173, %dot_general3A_168 : vector<512x1024xf32>
    %get3A_175 = arith.constant 3 : index
    %get3A_176 = arith.constant 0 : index
    %get3A_177 = arith.constant 0 : index
    %get3A_178 = vector.load %arg9[%get3A_175, %get3A_176, %get3A_177] : memref<16x1x1024xf32, #tpu.memory_space<vmem>>, vector<1x1x1024xf32>
    %get3A_179 = vector.shape_cast %get3A_178 : vector<1x1x1024xf32> to vector<1x1024xf32>
    %add3A_180 = vector.broadcast %get3A_179 : vector<1x1024xf32> to vector<512x1024xf32>
    %add3A_181 = arith.addf %add3A_174, %add3A_180 : vector<512x1024xf32>
    %reduce_min3A_182 = arith.constant dense<0x7F800000> : vector<512xf32>
    %reduce_min3A_183 = vector.multi_reduction <minimumf>, %add3A_181, %reduce_min3A_182 [1] : vector<512x1024xf32> to vector<512xf32>
    %broadcast_in_dim3A_184 = vector.shape_cast %reduce_min3A_183 : vector<512xf32> to vector<512x1xf32>
    %le3A_185 = vector.broadcast %broadcast_in_dim3A_184 : vector<512x1xf32> to vector<512x1024xf32>
    %le3A_186 = arith.cmpf ole, %add3A_181, %le3A_185 : vector<512x1024xf32>
    %iota3A_187 = tpu.iota {dimensions = array<i32: 1>} : vector<512x1024xi32>
    %jit3A_188 = arith.constant 1024 : i32
    %broadcast_in_dim3A_189 = vector.broadcast %jit3A_188 : i32 to vector<512x1024xi32>
    %select_n3A_190 = arith.select %le3A_186, %iota3A_187, %broadcast_in_dim3A_189 : vector<512x1024xi1>, vector<512x1024xi32>
    %reduce_min3A_191 = arith.constant dense<2147483647> : vector<512xi32>
    %reduce_min3A_192 = vector.multi_reduction <minsi>, %select_n3A_190, %reduce_min3A_191 [1] : vector<512x1024xi32> to vector<512xi32>
    %jit3A_193 = arith.constant 1.000000e+00 : f32
    %jit3A_194 = arith.constant 0.000000e+00 : f32
    %broadcast_in_dim3A_195 = vector.broadcast %jit3A_193 : f32 to vector<512x1024xf32>
    %broadcast_in_dim3A_196 = vector.broadcast %jit3A_194 : f32 to vector<512x1024xf32>
    %select_n3A_197 = arith.select %le3A_186, %broadcast_in_dim3A_195, %broadcast_in_dim3A_196 : vector<512x1024xi1>, vector<512x1024xf32>
    %dot_general3A_198 = arith.constant dense<0.000000e+00> : vector<1x1024xf32>
    %dot_general3A_199 = tpu.matmul %broadcast_in_dim3A_10, %select_n3A_197, %dot_general3A_198 {dimension_numbers = #tpu.dot_dimension_numbers<[1], [0], [0], [1], [0, 0, 1, 1], [], []>, transpose_lhs_hint = false} : vector<1x512xf32>, vector<512x1024xf32>, vector<1x1024xf32> -> vector<1x1024xf32>
    %add3A_200 = arith.addf %add3A_147, %dot_general3A_199 : vector<1x1024xf32>
    %reduce_sum3A_201 = vector.shape_cast %broadcast_in_dim3A_184 : vector<512x1xf32> to vector<1x512x1xf32>
    %reduce_sum3A_202 = arith.constant dense<0.000000e+00> : vector<1xf32>
    %reduce_sum3A_203 = vector.multi_reduction <add>, %reduce_sum3A_201, %reduce_sum3A_202 [1, 2] : vector<1x512x1xf32> to vector<1xf32>
    %reduce_sum3A_204 = vector.shape_cast %reduce_sum3A_203 : vector<1xf32> to vector<1x1x1xf32>
    %reduce_sum3A_205 = vector.extract %reduce_sum3A_204[0, 0, 0] : f32 from vector<1x1x1xf32>
    %reshape3A_206 = vector.broadcast %reduce_sum3A_205 : f32 to vector<1x1xf32>
    %add3A_207 = arith.addf %add3A_154, %reshape3A_206 : vector<1x1xf32>
    %broadcast_in_dim3A_208 = vector.shape_cast %reduce_min3A_192 : vector<512xi32> to vector<512x1xi32>
    %broadcast_in_dim3A_209 = vector.shape_cast %reduce_min3A_192 : vector<512xi32> to vector<512x1xi32>
    %add3A_210 = arith.constant 3072 : i32
    %add3A_211 = vector.broadcast %add3A_210 : i32 to vector<512x1xi32>
    %add3A_212 = arith.addi %broadcast_in_dim3A_209, %add3A_211 : vector<512x1xi32>
    %slice3A_213 = vector.extract_strided_slice %get3A_3 {offsets = [0, 256], sizes = [512, 64], strides = [1, 1]} : vector<512x1024xf32> to vector<512x64xf32>
    %slice3A_214 = vector.extract_strided_slice %mul3A_5 {offsets = [0, 256], sizes = [512, 64], strides = [1, 1]} : vector<512x1024xf32> to vector<512x64xf32>
    %get3A_215 = arith.constant 4 : index
    %get3A_216 = arith.constant 0 : index
    %get3A_217 = arith.constant 0 : index
    %get3A_218 = vector.load %arg2[%get3A_215, %get3A_216, %get3A_217] : memref<16x1024x64xf32, #tpu.memory_space<vmem>>, vector<1x1024x64xf32>
    %get3A_219 = vector.shape_cast %get3A_218 : vector<1x1024x64xf32> to vector<1024x64xf32>
    %dot_general3A_220 = arith.constant dense<0.000000e+00> : vector<512x1024xf32>
    %dot_general3A_221 = tpu.matmul %slice3A_214, %get3A_219, %dot_general3A_220 {dimension_numbers = #tpu.dot_dimension_numbers<[1], [1], [0], [0], [0, 0, 1, 0], [], []>, transpose_lhs_hint = false} : vector<512x64xf32>, vector<1024x64xf32>, vector<512x1024xf32> -> vector<512x1024xf32>
    %mul3A_222 = arith.mulf %slice3A_213, %slice3A_213 : vector<512x64xf32>
    %reduce_sum3A_223 = arith.constant dense<0.000000e+00> : vector<512xf32>
    %reduce_sum3A_224 = vector.multi_reduction <add>, %mul3A_222, %reduce_sum3A_223 [1] : vector<512x64xf32> to vector<512xf32>
    %broadcast_in_dim3A_225 = vector.shape_cast %reduce_sum3A_224 : vector<512xf32> to vector<512x1xf32>
    %add3A_226 = vector.broadcast %broadcast_in_dim3A_225 : vector<512x1xf32> to vector<512x1024xf32>
    %add3A_227 = arith.addf %add3A_226, %dot_general3A_221 : vector<512x1024xf32>
    %get3A_228 = arith.constant 4 : index
    %get3A_229 = arith.constant 0 : index
    %get3A_230 = arith.constant 0 : index
    %get3A_231 = vector.load %arg9[%get3A_228, %get3A_229, %get3A_230] : memref<16x1x1024xf32, #tpu.memory_space<vmem>>, vector<1x1x1024xf32>
    %get3A_232 = vector.shape_cast %get3A_231 : vector<1x1x1024xf32> to vector<1x1024xf32>
    %add3A_233 = vector.broadcast %get3A_232 : vector<1x1024xf32> to vector<512x1024xf32>
    %add3A_234 = arith.addf %add3A_227, %add3A_233 : vector<512x1024xf32>
    %reduce_min3A_235 = arith.constant dense<0x7F800000> : vector<512xf32>
    %reduce_min3A_236 = vector.multi_reduction <minimumf>, %add3A_234, %reduce_min3A_235 [1] : vector<512x1024xf32> to vector<512xf32>
    %broadcast_in_dim3A_237 = vector.shape_cast %reduce_min3A_236 : vector<512xf32> to vector<512x1xf32>
    %le3A_238 = vector.broadcast %broadcast_in_dim3A_237 : vector<512x1xf32> to vector<512x1024xf32>
    %le3A_239 = arith.cmpf ole, %add3A_234, %le3A_238 : vector<512x1024xf32>
    %iota3A_240 = tpu.iota {dimensions = array<i32: 1>} : vector<512x1024xi32>
    %jit3A_241 = arith.constant 1024 : i32
    %broadcast_in_dim3A_242 = vector.broadcast %jit3A_241 : i32 to vector<512x1024xi32>
    %select_n3A_243 = arith.select %le3A_239, %iota3A_240, %broadcast_in_dim3A_242 : vector<512x1024xi1>, vector<512x1024xi32>
    %reduce_min3A_244 = arith.constant dense<2147483647> : vector<512xi32>
    %reduce_min3A_245 = vector.multi_reduction <minsi>, %select_n3A_243, %reduce_min3A_244 [1] : vector<512x1024xi32> to vector<512xi32>
    %jit3A_246 = arith.constant 1.000000e+00 : f32
    %jit3A_247 = arith.constant 0.000000e+00 : f32
    %broadcast_in_dim3A_248 = vector.broadcast %jit3A_246 : f32 to vector<512x1024xf32>
    %broadcast_in_dim3A_249 = vector.broadcast %jit3A_247 : f32 to vector<512x1024xf32>
    %select_n3A_250 = arith.select %le3A_239, %broadcast_in_dim3A_248, %broadcast_in_dim3A_249 : vector<512x1024xi1>, vector<512x1024xf32>
    %dot_general3A_251 = arith.constant dense<0.000000e+00> : vector<1x1024xf32>
    %dot_general3A_252 = tpu.matmul %broadcast_in_dim3A_10, %select_n3A_250, %dot_general3A_251 {dimension_numbers = #tpu.dot_dimension_numbers<[1], [0], [0], [1], [0, 0, 1, 1], [], []>, transpose_lhs_hint = false} : vector<1x512xf32>, vector<512x1024xf32>, vector<1x1024xf32> -> vector<1x1024xf32>
    %add3A_253 = arith.addf %add3A_200, %dot_general3A_252 : vector<1x1024xf32>
    %reduce_sum3A_254 = vector.shape_cast %broadcast_in_dim3A_237 : vector<512x1xf32> to vector<1x512x1xf32>
    %reduce_sum3A_255 = arith.constant dense<0.000000e+00> : vector<1xf32>
    %reduce_sum3A_256 = vector.multi_reduction <add>, %reduce_sum3A_254, %reduce_sum3A_255 [1, 2] : vector<1x512x1xf32> to vector<1xf32>
    %reduce_sum3A_257 = vector.shape_cast %reduce_sum3A_256 : vector<1xf32> to vector<1x1x1xf32>
    %reduce_sum3A_258 = vector.extract %reduce_sum3A_257[0, 0, 0] : f32 from vector<1x1x1xf32>
    %reshape3A_259 = vector.broadcast %reduce_sum3A_258 : f32 to vector<1x1xf32>
    %add3A_260 = arith.addf %add3A_207, %reshape3A_259 : vector<1x1xf32>
    %broadcast_in_dim3A_261 = vector.shape_cast %reduce_min3A_245 : vector<512xi32> to vector<512x1xi32>
    %broadcast_in_dim3A_262 = vector.shape_cast %reduce_min3A_245 : vector<512xi32> to vector<512x1xi32>
    %add3A_263 = arith.constant 4096 : i32
    %add3A_264 = vector.broadcast %add3A_263 : i32 to vector<512x1xi32>
    %add3A_265 = arith.addi %broadcast_in_dim3A_262, %add3A_264 : vector<512x1xi32>
    %slice3A_266 = vector.extract_strided_slice %get3A_3 {offsets = [0, 320], sizes = [512, 64], strides = [1, 1]} : vector<512x1024xf32> to vector<512x64xf32>
    %slice3A_267 = vector.extract_strided_slice %mul3A_5 {offsets = [0, 320], sizes = [512, 64], strides = [1, 1]} : vector<512x1024xf32> to vector<512x64xf32>
    %get3A_268 = arith.constant 5 : index
    %get3A_269 = arith.constant 0 : index
    %get3A_270 = arith.constant 0 : index
    %get3A_271 = vector.load %arg2[%get3A_268, %get3A_269, %get3A_270] : memref<16x1024x64xf32, #tpu.memory_space<vmem>>, vector<1x1024x64xf32>
    %get3A_272 = vector.shape_cast %get3A_271 : vector<1x1024x64xf32> to vector<1024x64xf32>
    %dot_general3A_273 = arith.constant dense<0.000000e+00> : vector<512x1024xf32>
    %dot_general3A_274 = tpu.matmul %slice3A_267, %get3A_272, %dot_general3A_273 {dimension_numbers = #tpu.dot_dimension_numbers<[1], [1], [0], [0], [0, 0, 1, 0], [], []>, transpose_lhs_hint = false} : vector<512x64xf32>, vector<1024x64xf32>, vector<512x1024xf32> -> vector<512x1024xf32>
    %mul3A_275 = arith.mulf %slice3A_266, %slice3A_266 : vector<512x64xf32>
    %reduce_sum3A_276 = arith.constant dense<0.000000e+00> : vector<512xf32>
    %reduce_sum3A_277 = vector.multi_reduction <add>, %mul3A_275, %reduce_sum3A_276 [1] : vector<512x64xf32> to vector<512xf32>
    %broadcast_in_dim3A_278 = vector.shape_cast %reduce_sum3A_277 : vector<512xf32> to vector<512x1xf32>
    %add3A_279 = vector.broadcast %broadcast_in_dim3A_278 : vector<512x1xf32> to vector<512x1024xf32>
    %add3A_280 = arith.addf %add3A_279, %dot_general3A_274 : vector<512x1024xf32>
    %get3A_281 = arith.constant 5 : index
    %get3A_282 = arith.constant 0 : index
    %get3A_283 = arith.constant 0 : index
    %get3A_284 = vector.load %arg9[%get3A_281, %get3A_282, %get3A_283] : memref<16x1x1024xf32, #tpu.memory_space<vmem>>, vector<1x1x1024xf32>
    %get3A_285 = vector.shape_cast %get3A_284 : vector<1x1x1024xf32> to vector<1x1024xf32>
    %add3A_286 = vector.broadcast %get3A_285 : vector<1x1024xf32> to vector<512x1024xf32>
    %add3A_287 = arith.addf %add3A_280, %add3A_286 : vector<512x1024xf32>
    %reduce_min3A_288 = arith.constant dense<0x7F800000> : vector<512xf32>
    %reduce_min3A_289 = vector.multi_reduction <minimumf>, %add3A_287, %reduce_min3A_288 [1] : vector<512x1024xf32> to vector<512xf32>
    %broadcast_in_dim3A_290 = vector.shape_cast %reduce_min3A_289 : vector<512xf32> to vector<512x1xf32>
    %le3A_291 = vector.broadcast %broadcast_in_dim3A_290 : vector<512x1xf32> to vector<512x1024xf32>
    %le3A_292 = arith.cmpf ole, %add3A_287, %le3A_291 : vector<512x1024xf32>
    %iota3A_293 = tpu.iota {dimensions = array<i32: 1>} : vector<512x1024xi32>
    %jit3A_294 = arith.constant 1024 : i32
    %broadcast_in_dim3A_295 = vector.broadcast %jit3A_294 : i32 to vector<512x1024xi32>
    %select_n3A_296 = arith.select %le3A_292, %iota3A_293, %broadcast_in_dim3A_295 : vector<512x1024xi1>, vector<512x1024xi32>
    %reduce_min3A_297 = arith.constant dense<2147483647> : vector<512xi32>
    %reduce_min3A_298 = vector.multi_reduction <minsi>, %select_n3A_296, %reduce_min3A_297 [1] : vector<512x1024xi32> to vector<512xi32>
    %jit3A_299 = arith.constant 1.000000e+00 : f32
    %jit3A_300 = arith.constant 0.000000e+00 : f32
    %broadcast_in_dim3A_301 = vector.broadcast %jit3A_299 : f32 to vector<512x1024xf32>
    %broadcast_in_dim3A_302 = vector.broadcast %jit3A_300 : f32 to vector<512x1024xf32>
    %select_n3A_303 = arith.select %le3A_292, %broadcast_in_dim3A_301, %broadcast_in_dim3A_302 : vector<512x1024xi1>, vector<512x1024xf32>
    %dot_general3A_304 = arith.constant dense<0.000000e+00> : vector<1x1024xf32>
    %dot_general3A_305 = tpu.matmul %broadcast_in_dim3A_10, %select_n3A_303, %dot_general3A_304 {dimension_numbers = #tpu.dot_dimension_numbers<[1], [0], [0], [1], [0, 0, 1, 1], [], []>, transpose_lhs_hint = false} : vector<1x512xf32>, vector<512x1024xf32>, vector<1x1024xf32> -> vector<1x1024xf32>
    %add3A_306 = arith.addf %add3A_253, %dot_general3A_305 : vector<1x1024xf32>
    %reduce_sum3A_307 = vector.shape_cast %broadcast_in_dim3A_290 : vector<512x1xf32> to vector<1x512x1xf32>
    %reduce_sum3A_308 = arith.constant dense<0.000000e+00> : vector<1xf32>
    %reduce_sum3A_309 = vector.multi_reduction <add>, %reduce_sum3A_307, %reduce_sum3A_308 [1, 2] : vector<1x512x1xf32> to vector<1xf32>
    %reduce_sum3A_310 = vector.shape_cast %reduce_sum3A_309 : vector<1xf32> to vector<1x1x1xf32>
    %reduce_sum3A_311 = vector.extract %reduce_sum3A_310[0, 0, 0] : f32 from vector<1x1x1xf32>
    %reshape3A_312 = vector.broadcast %reduce_sum3A_311 : f32 to vector<1x1xf32>
    %add3A_313 = arith.addf %add3A_260, %reshape3A_312 : vector<1x1xf32>
    %broadcast_in_dim3A_314 = vector.shape_cast %reduce_min3A_298 : vector<512xi32> to vector<512x1xi32>
    %broadcast_in_dim3A_315 = vector.shape_cast %reduce_min3A_298 : vector<512xi32> to vector<512x1xi32>
    %add3A_316 = arith.constant 5120 : i32
    %add3A_317 = vector.broadcast %add3A_316 : i32 to vector<512x1xi32>
    %add3A_318 = arith.addi %broadcast_in_dim3A_315, %add3A_317 : vector<512x1xi32>
    %slice3A_319 = vector.extract_strided_slice %get3A_3 {offsets = [0, 384], sizes = [512, 64], strides = [1, 1]} : vector<512x1024xf32> to vector<512x64xf32>
    %slice3A_320 = vector.extract_strided_slice %mul3A_5 {offsets = [0, 384], sizes = [512, 64], strides = [1, 1]} : vector<512x1024xf32> to vector<512x64xf32>
    %get3A_321 = arith.constant 6 : index
    %get3A_322 = arith.constant 0 : index
    %get3A_323 = arith.constant 0 : index
    %get3A_324 = vector.load %arg2[%get3A_321, %get3A_322, %get3A_323] : memref<16x1024x64xf32, #tpu.memory_space<vmem>>, vector<1x1024x64xf32>
    %get3A_325 = vector.shape_cast %get3A_324 : vector<1x1024x64xf32> to vector<1024x64xf32>
    %dot_general3A_326 = arith.constant dense<0.000000e+00> : vector<512x1024xf32>
    %dot_general3A_327 = tpu.matmul %slice3A_320, %get3A_325, %dot_general3A_326 {dimension_numbers = #tpu.dot_dimension_numbers<[1], [1], [0], [0], [0, 0, 1, 0], [], []>, transpose_lhs_hint = false} : vector<512x64xf32>, vector<1024x64xf32>, vector<512x1024xf32> -> vector<512x1024xf32>
    %mul3A_328 = arith.mulf %slice3A_319, %slice3A_319 : vector<512x64xf32>
    %reduce_sum3A_329 = arith.constant dense<0.000000e+00> : vector<512xf32>
    %reduce_sum3A_330 = vector.multi_reduction <add>, %mul3A_328, %reduce_sum3A_329 [1] : vector<512x64xf32> to vector<512xf32>
    %broadcast_in_dim3A_331 = vector.shape_cast %reduce_sum3A_330 : vector<512xf32> to vector<512x1xf32>
    %add3A_332 = vector.broadcast %broadcast_in_dim3A_331 : vector<512x1xf32> to vector<512x1024xf32>
    %add3A_333 = arith.addf %add3A_332, %dot_general3A_327 : vector<512x1024xf32>
    %get3A_334 = arith.constant 6 : index
    %get3A_335 = arith.constant 0 : index
    %get3A_336 = arith.constant 0 : index
    %get3A_337 = vector.load %arg9[%get3A_334, %get3A_335, %get3A_336] : memref<16x1x1024xf32, #tpu.memory_space<vmem>>, vector<1x1x1024xf32>
    %get3A_338 = vector.shape_cast %get3A_337 : vector<1x1x1024xf32> to vector<1x1024xf32>
    %add3A_339 = vector.broadcast %get3A_338 : vector<1x1024xf32> to vector<512x1024xf32>
    %add3A_340 = arith.addf %add3A_333, %add3A_339 : vector<512x1024xf32>
    %reduce_min3A_341 = arith.constant dense<0x7F800000> : vector<512xf32>
    %reduce_min3A_342 = vector.multi_reduction <minimumf>, %add3A_340, %reduce_min3A_341 [1] : vector<512x1024xf32> to vector<512xf32>
    %broadcast_in_dim3A_343 = vector.shape_cast %reduce_min3A_342 : vector<512xf32> to vector<512x1xf32>
    %le3A_344 = vector.broadcast %broadcast_in_dim3A_343 : vector<512x1xf32> to vector<512x1024xf32>
    %le3A_345 = arith.cmpf ole, %add3A_340, %le3A_344 : vector<512x1024xf32>
    %iota3A_346 = tpu.iota {dimensions = array<i32: 1>} : vector<512x1024xi32>
    %jit3A_347 = arith.constant 1024 : i32
    %broadcast_in_dim3A_348 = vector.broadcast %jit3A_347 : i32 to vector<512x1024xi32>
    %select_n3A_349 = arith.select %le3A_345, %iota3A_346, %broadcast_in_dim3A_348 : vector<512x1024xi1>, vector<512x1024xi32>
    %reduce_min3A_350 = arith.constant dense<2147483647> : vector<512xi32>
    %reduce_min3A_351 = vector.multi_reduction <minsi>, %select_n3A_349, %reduce_min3A_350 [1] : vector<512x1024xi32> to vector<512xi32>
    %jit3A_352 = arith.constant 1.000000e+00 : f32
    %jit3A_353 = arith.constant 0.000000e+00 : f32
    %broadcast_in_dim3A_354 = vector.broadcast %jit3A_352 : f32 to vector<512x1024xf32>
    %broadcast_in_dim3A_355 = vector.broadcast %jit3A_353 : f32 to vector<512x1024xf32>
    %select_n3A_356 = arith.select %le3A_345, %broadcast_in_dim3A_354, %broadcast_in_dim3A_355 : vector<512x1024xi1>, vector<512x1024xf32>
    %dot_general3A_357 = arith.constant dense<0.000000e+00> : vector<1x1024xf32>
    %dot_general3A_358 = tpu.matmul %broadcast_in_dim3A_10, %select_n3A_356, %dot_general3A_357 {dimension_numbers = #tpu.dot_dimension_numbers<[1], [0], [0], [1], [0, 0, 1, 1], [], []>, transpose_lhs_hint = false} : vector<1x512xf32>, vector<512x1024xf32>, vector<1x1024xf32> -> vector<1x1024xf32>
    %add3A_359 = arith.addf %add3A_306, %dot_general3A_358 : vector<1x1024xf32>
    %reduce_sum3A_360 = vector.shape_cast %broadcast_in_dim3A_343 : vector<512x1xf32> to vector<1x512x1xf32>
    %reduce_sum3A_361 = arith.constant dense<0.000000e+00> : vector<1xf32>
    %reduce_sum3A_362 = vector.multi_reduction <add>, %reduce_sum3A_360, %reduce_sum3A_361 [1, 2] : vector<1x512x1xf32> to vector<1xf32>
    %reduce_sum3A_363 = vector.shape_cast %reduce_sum3A_362 : vector<1xf32> to vector<1x1x1xf32>
    %reduce_sum3A_364 = vector.extract %reduce_sum3A_363[0, 0, 0] : f32 from vector<1x1x1xf32>
    %reshape3A_365 = vector.broadcast %reduce_sum3A_364 : f32 to vector<1x1xf32>
    %add3A_366 = arith.addf %add3A_313, %reshape3A_365 : vector<1x1xf32>
    %broadcast_in_dim3A_367 = vector.shape_cast %reduce_min3A_351 : vector<512xi32> to vector<512x1xi32>
    %broadcast_in_dim3A_368 = vector.shape_cast %reduce_min3A_351 : vector<512xi32> to vector<512x1xi32>
    %add3A_369 = arith.constant 6144 : i32
    %add3A_370 = vector.broadcast %add3A_369 : i32 to vector<512x1xi32>
    %add3A_371 = arith.addi %broadcast_in_dim3A_368, %add3A_370 : vector<512x1xi32>
    %slice3A_372 = vector.extract_strided_slice %get3A_3 {offsets = [0, 448], sizes = [512, 64], strides = [1, 1]} : vector<512x1024xf32> to vector<512x64xf32>
    %slice3A_373 = vector.extract_strided_slice %mul3A_5 {offsets = [0, 448], sizes = [512, 64], strides = [1, 1]} : vector<512x1024xf32> to vector<512x64xf32>
    %get3A_374 = arith.constant 7 : index
    %get3A_375 = arith.constant 0 : index
    %get3A_376 = arith.constant 0 : index
    %get3A_377 = vector.load %arg2[%get3A_374, %get3A_375, %get3A_376] : memref<16x1024x64xf32, #tpu.memory_space<vmem>>, vector<1x1024x64xf32>
    %get3A_378 = vector.shape_cast %get3A_377 : vector<1x1024x64xf32> to vector<1024x64xf32>
    %dot_general3A_379 = arith.constant dense<0.000000e+00> : vector<512x1024xf32>
    %dot_general3A_380 = tpu.matmul %slice3A_373, %get3A_378, %dot_general3A_379 {dimension_numbers = #tpu.dot_dimension_numbers<[1], [1], [0], [0], [0, 0, 1, 0], [], []>, transpose_lhs_hint = false} : vector<512x64xf32>, vector<1024x64xf32>, vector<512x1024xf32> -> vector<512x1024xf32>
    %mul3A_381 = arith.mulf %slice3A_372, %slice3A_372 : vector<512x64xf32>
    %reduce_sum3A_382 = arith.constant dense<0.000000e+00> : vector<512xf32>
    %reduce_sum3A_383 = vector.multi_reduction <add>, %mul3A_381, %reduce_sum3A_382 [1] : vector<512x64xf32> to vector<512xf32>
    %broadcast_in_dim3A_384 = vector.shape_cast %reduce_sum3A_383 : vector<512xf32> to vector<512x1xf32>
    %add3A_385 = vector.broadcast %broadcast_in_dim3A_384 : vector<512x1xf32> to vector<512x1024xf32>
    %add3A_386 = arith.addf %add3A_385, %dot_general3A_380 : vector<512x1024xf32>
    %get3A_387 = arith.constant 7 : index
    %get3A_388 = arith.constant 0 : index
    %get3A_389 = arith.constant 0 : index
    %get3A_390 = vector.load %arg9[%get3A_387, %get3A_388, %get3A_389] : memref<16x1x1024xf32, #tpu.memory_space<vmem>>, vector<1x1x1024xf32>
    %get3A_391 = vector.shape_cast %get3A_390 : vector<1x1x1024xf32> to vector<1x1024xf32>
    %add3A_392 = vector.broadcast %get3A_391 : vector<1x1024xf32> to vector<512x1024xf32>
    %add3A_393 = arith.addf %add3A_386, %add3A_392 : vector<512x1024xf32>
    %reduce_min3A_394 = arith.constant dense<0x7F800000> : vector<512xf32>
    %reduce_min3A_395 = vector.multi_reduction <minimumf>, %add3A_393, %reduce_min3A_394 [1] : vector<512x1024xf32> to vector<512xf32>
    %broadcast_in_dim3A_396 = vector.shape_cast %reduce_min3A_395 : vector<512xf32> to vector<512x1xf32>
    %le3A_397 = vector.broadcast %broadcast_in_dim3A_396 : vector<512x1xf32> to vector<512x1024xf32>
    %le3A_398 = arith.cmpf ole, %add3A_393, %le3A_397 : vector<512x1024xf32>
    %iota3A_399 = tpu.iota {dimensions = array<i32: 1>} : vector<512x1024xi32>
    %jit3A_400 = arith.constant 1024 : i32
    %broadcast_in_dim3A_401 = vector.broadcast %jit3A_400 : i32 to vector<512x1024xi32>
    %select_n3A_402 = arith.select %le3A_398, %iota3A_399, %broadcast_in_dim3A_401 : vector<512x1024xi1>, vector<512x1024xi32>
    %reduce_min3A_403 = arith.constant dense<2147483647> : vector<512xi32>
    %reduce_min3A_404 = vector.multi_reduction <minsi>, %select_n3A_402, %reduce_min3A_403 [1] : vector<512x1024xi32> to vector<512xi32>
    %jit3A_405 = arith.constant 1.000000e+00 : f32
    %jit3A_406 = arith.constant 0.000000e+00 : f32
    %broadcast_in_dim3A_407 = vector.broadcast %jit3A_405 : f32 to vector<512x1024xf32>
    %broadcast_in_dim3A_408 = vector.broadcast %jit3A_406 : f32 to vector<512x1024xf32>
    %select_n3A_409 = arith.select %le3A_398, %broadcast_in_dim3A_407, %broadcast_in_dim3A_408 : vector<512x1024xi1>, vector<512x1024xf32>
    %dot_general3A_410 = arith.constant dense<0.000000e+00> : vector<1x1024xf32>
    %dot_general3A_411 = tpu.matmul %broadcast_in_dim3A_10, %select_n3A_409, %dot_general3A_410 {dimension_numbers = #tpu.dot_dimension_numbers<[1], [0], [0], [1], [0, 0, 1, 1], [], []>, transpose_lhs_hint = false} : vector<1x512xf32>, vector<512x1024xf32>, vector<1x1024xf32> -> vector<1x1024xf32>
    %add3A_412 = arith.addf %add3A_359, %dot_general3A_411 : vector<1x1024xf32>
    %reduce_sum3A_413 = vector.shape_cast %broadcast_in_dim3A_396 : vector<512x1xf32> to vector<1x512x1xf32>
    %reduce_sum3A_414 = arith.constant dense<0.000000e+00> : vector<1xf32>
    %reduce_sum3A_415 = vector.multi_reduction <add>, %reduce_sum3A_413, %reduce_sum3A_414 [1, 2] : vector<1x512x1xf32> to vector<1xf32>
    %reduce_sum3A_416 = vector.shape_cast %reduce_sum3A_415 : vector<1xf32> to vector<1x1x1xf32>
    %reduce_sum3A_417 = vector.extract %reduce_sum3A_416[0, 0, 0] : f32 from vector<1x1x1xf32>
    %reshape3A_418 = vector.broadcast %reduce_sum3A_417 : f32 to vector<1x1xf32>
    %add3A_419 = arith.addf %add3A_366, %reshape3A_418 : vector<1x1xf32>
    %broadcast_in_dim3A_420 = vector.shape_cast %reduce_min3A_404 : vector<512xi32> to vector<512x1xi32>
    %broadcast_in_dim3A_421 = vector.shape_cast %reduce_min3A_404 : vector<512xi32> to vector<512x1xi32>
    %add3A_422 = arith.constant 7168 : i32
    %add3A_423 = vector.broadcast %add3A_422 : i32 to vector<512x1xi32>
    %add3A_424 = arith.addi %broadcast_in_dim3A_421, %add3A_423 : vector<512x1xi32>
    %slice3A_425 = vector.extract_strided_slice %get3A_3 {offsets = [0, 512], sizes = [512, 64], strides = [1, 1]} : vector<512x1024xf32> to vector<512x64xf32>
    %slice3A_426 = vector.extract_strided_slice %mul3A_5 {offsets = [0, 512], sizes = [512, 64], strides = [1, 1]} : vector<512x1024xf32> to vector<512x64xf32>
    %get3A_427 = arith.constant 8 : index
    %get3A_428 = arith.constant 0 : index
    %get3A_429 = arith.constant 0 : index
    %get3A_430 = vector.load %arg2[%get3A_427, %get3A_428, %get3A_429] : memref<16x1024x64xf32, #tpu.memory_space<vmem>>, vector<1x1024x64xf32>
    %get3A_431 = vector.shape_cast %get3A_430 : vector<1x1024x64xf32> to vector<1024x64xf32>
    %dot_general3A_432 = arith.constant dense<0.000000e+00> : vector<512x1024xf32>
    %dot_general3A_433 = tpu.matmul %slice3A_426, %get3A_431, %dot_general3A_432 {dimension_numbers = #tpu.dot_dimension_numbers<[1], [1], [0], [0], [0, 0, 1, 0], [], []>, transpose_lhs_hint = false} : vector<512x64xf32>, vector<1024x64xf32>, vector<512x1024xf32> -> vector<512x1024xf32>
    %mul3A_434 = arith.mulf %slice3A_425, %slice3A_425 : vector<512x64xf32>
    %reduce_sum3A_435 = arith.constant dense<0.000000e+00> : vector<512xf32>
    %reduce_sum3A_436 = vector.multi_reduction <add>, %mul3A_434, %reduce_sum3A_435 [1] : vector<512x64xf32> to vector<512xf32>
    %broadcast_in_dim3A_437 = vector.shape_cast %reduce_sum3A_436 : vector<512xf32> to vector<512x1xf32>
    %add3A_438 = vector.broadcast %broadcast_in_dim3A_437 : vector<512x1xf32> to vector<512x1024xf32>
    %add3A_439 = arith.addf %add3A_438, %dot_general3A_433 : vector<512x1024xf32>
    %get3A_440 = arith.constant 8 : index
    %get3A_441 = arith.constant 0 : index
    %get3A_442 = arith.constant 0 : index
    %get3A_443 = vector.load %arg9[%get3A_440, %get3A_441, %get3A_442] : memref<16x1x1024xf32, #tpu.memory_space<vmem>>, vector<1x1x1024xf32>
    %get3A_444 = vector.shape_cast %get3A_443 : vector<1x1x1024xf32> to vector<1x1024xf32>
    %add3A_445 = vector.broadcast %get3A_444 : vector<1x1024xf32> to vector<512x1024xf32>
    %add3A_446 = arith.addf %add3A_439, %add3A_445 : vector<512x1024xf32>
    %reduce_min3A_447 = arith.constant dense<0x7F800000> : vector<512xf32>
    %reduce_min3A_448 = vector.multi_reduction <minimumf>, %add3A_446, %reduce_min3A_447 [1] : vector<512x1024xf32> to vector<512xf32>
    %broadcast_in_dim3A_449 = vector.shape_cast %reduce_min3A_448 : vector<512xf32> to vector<512x1xf32>
    %le3A_450 = vector.broadcast %broadcast_in_dim3A_449 : vector<512x1xf32> to vector<512x1024xf32>
    %le3A_451 = arith.cmpf ole, %add3A_446, %le3A_450 : vector<512x1024xf32>
    %iota3A_452 = tpu.iota {dimensions = array<i32: 1>} : vector<512x1024xi32>
    %jit3A_453 = arith.constant 1024 : i32
    %broadcast_in_dim3A_454 = vector.broadcast %jit3A_453 : i32 to vector<512x1024xi32>
    %select_n3A_455 = arith.select %le3A_451, %iota3A_452, %broadcast_in_dim3A_454 : vector<512x1024xi1>, vector<512x1024xi32>
    %reduce_min3A_456 = arith.constant dense<2147483647> : vector<512xi32>
    %reduce_min3A_457 = vector.multi_reduction <minsi>, %select_n3A_455, %reduce_min3A_456 [1] : vector<512x1024xi32> to vector<512xi32>
    %jit3A_458 = arith.constant 1.000000e+00 : f32
    %jit3A_459 = arith.constant 0.000000e+00 : f32
    %broadcast_in_dim3A_460 = vector.broadcast %jit3A_458 : f32 to vector<512x1024xf32>
    %broadcast_in_dim3A_461 = vector.broadcast %jit3A_459 : f32 to vector<512x1024xf32>
    %select_n3A_462 = arith.select %le3A_451, %broadcast_in_dim3A_460, %broadcast_in_dim3A_461 : vector<512x1024xi1>, vector<512x1024xf32>
    %dot_general3A_463 = arith.constant dense<0.000000e+00> : vector<1x1024xf32>
    %dot_general3A_464 = tpu.matmul %broadcast_in_dim3A_10, %select_n3A_462, %dot_general3A_463 {dimension_numbers = #tpu.dot_dimension_numbers<[1], [0], [0], [1], [0, 0, 1, 1], [], []>, transpose_lhs_hint = false} : vector<1x512xf32>, vector<512x1024xf32>, vector<1x1024xf32> -> vector<1x1024xf32>
    %add3A_465 = arith.addf %add3A_412, %dot_general3A_464 : vector<1x1024xf32>
    %reduce_sum3A_466 = vector.shape_cast %broadcast_in_dim3A_449 : vector<512x1xf32> to vector<1x512x1xf32>
    %reduce_sum3A_467 = arith.constant dense<0.000000e+00> : vector<1xf32>
    %reduce_sum3A_468 = vector.multi_reduction <add>, %reduce_sum3A_466, %reduce_sum3A_467 [1, 2] : vector<1x512x1xf32> to vector<1xf32>
    %reduce_sum3A_469 = vector.shape_cast %reduce_sum3A_468 : vector<1xf32> to vector<1x1x1xf32>
    %reduce_sum3A_470 = vector.extract %reduce_sum3A_469[0, 0, 0] : f32 from vector<1x1x1xf32>
    %reshape3A_471 = vector.broadcast %reduce_sum3A_470 : f32 to vector<1x1xf32>
    %add3A_472 = arith.addf %add3A_419, %reshape3A_471 : vector<1x1xf32>
    %broadcast_in_dim3A_473 = vector.shape_cast %reduce_min3A_457 : vector<512xi32> to vector<512x1xi32>
    %broadcast_in_dim3A_474 = vector.shape_cast %reduce_min3A_457 : vector<512xi32> to vector<512x1xi32>
    %add3A_475 = arith.constant 8192 : i32
    %add3A_476 = vector.broadcast %add3A_475 : i32 to vector<512x1xi32>
    %add3A_477 = arith.addi %broadcast_in_dim3A_474, %add3A_476 : vector<512x1xi32>
    %slice3A_478 = vector.extract_strided_slice %get3A_3 {offsets = [0, 576], sizes = [512, 64], strides = [1, 1]} : vector<512x1024xf32> to vector<512x64xf32>
    %slice3A_479 = vector.extract_strided_slice %mul3A_5 {offsets = [0, 576], sizes = [512, 64], strides = [1, 1]} : vector<512x1024xf32> to vector<512x64xf32>
    %get3A_480 = arith.constant 9 : index
    %get3A_481 = arith.constant 0 : index
    %get3A_482 = arith.constant 0 : index
    %get3A_483 = vector.load %arg2[%get3A_480, %get3A_481, %get3A_482] : memref<16x1024x64xf32, #tpu.memory_space<vmem>>, vector<1x1024x64xf32>
    %get3A_484 = vector.shape_cast %get3A_483 : vector<1x1024x64xf32> to vector<1024x64xf32>
    %dot_general3A_485 = arith.constant dense<0.000000e+00> : vector<512x1024xf32>
    %dot_general3A_486 = tpu.matmul %slice3A_479, %get3A_484, %dot_general3A_485 {dimension_numbers = #tpu.dot_dimension_numbers<[1], [1], [0], [0], [0, 0, 1, 0], [], []>, transpose_lhs_hint = false} : vector<512x64xf32>, vector<1024x64xf32>, vector<512x1024xf32> -> vector<512x1024xf32>
    %mul3A_487 = arith.mulf %slice3A_478, %slice3A_478 : vector<512x64xf32>
    %reduce_sum3A_488 = arith.constant dense<0.000000e+00> : vector<512xf32>
    %reduce_sum3A_489 = vector.multi_reduction <add>, %mul3A_487, %reduce_sum3A_488 [1] : vector<512x64xf32> to vector<512xf32>
    %broadcast_in_dim3A_490 = vector.shape_cast %reduce_sum3A_489 : vector<512xf32> to vector<512x1xf32>
    %add3A_491 = vector.broadcast %broadcast_in_dim3A_490 : vector<512x1xf32> to vector<512x1024xf32>
    %add3A_492 = arith.addf %add3A_491, %dot_general3A_486 : vector<512x1024xf32>
    %get3A_493 = arith.constant 9 : index
    %get3A_494 = arith.constant 0 : index
    %get3A_495 = arith.constant 0 : index
    %get3A_496 = vector.load %arg9[%get3A_493, %get3A_494, %get3A_495] : memref<16x1x1024xf32, #tpu.memory_space<vmem>>, vector<1x1x1024xf32>
    %get3A_497 = vector.shape_cast %get3A_496 : vector<1x1x1024xf32> to vector<1x1024xf32>
    %add3A_498 = vector.broadcast %get3A_497 : vector<1x1024xf32> to vector<512x1024xf32>
    %add3A_499 = arith.addf %add3A_492, %add3A_498 : vector<512x1024xf32>
    %reduce_min3A_500 = arith.constant dense<0x7F800000> : vector<512xf32>
    %reduce_min3A_501 = vector.multi_reduction <minimumf>, %add3A_499, %reduce_min3A_500 [1] : vector<512x1024xf32> to vector<512xf32>
    %broadcast_in_dim3A_502 = vector.shape_cast %reduce_min3A_501 : vector<512xf32> to vector<512x1xf32>
    %le3A_503 = vector.broadcast %broadcast_in_dim3A_502 : vector<512x1xf32> to vector<512x1024xf32>
    %le3A_504 = arith.cmpf ole, %add3A_499, %le3A_503 : vector<512x1024xf32>
    %iota3A_505 = tpu.iota {dimensions = array<i32: 1>} : vector<512x1024xi32>
    %jit3A_506 = arith.constant 1024 : i32
    %broadcast_in_dim3A_507 = vector.broadcast %jit3A_506 : i32 to vector<512x1024xi32>
    %select_n3A_508 = arith.select %le3A_504, %iota3A_505, %broadcast_in_dim3A_507 : vector<512x1024xi1>, vector<512x1024xi32>
    %reduce_min3A_509 = arith.constant dense<2147483647> : vector<512xi32>
    %reduce_min3A_510 = vector.multi_reduction <minsi>, %select_n3A_508, %reduce_min3A_509 [1] : vector<512x1024xi32> to vector<512xi32>
    %jit3A_511 = arith.constant 1.000000e+00 : f32
    %jit3A_512 = arith.constant 0.000000e+00 : f32
    %broadcast_in_dim3A_513 = vector.broadcast %jit3A_511 : f32 to vector<512x1024xf32>
    %broadcast_in_dim3A_514 = vector.broadcast %jit3A_512 : f32 to vector<512x1024xf32>
    %select_n3A_515 = arith.select %le3A_504, %broadcast_in_dim3A_513, %broadcast_in_dim3A_514 : vector<512x1024xi1>, vector<512x1024xf32>
    %dot_general3A_516 = arith.constant dense<0.000000e+00> : vector<1x1024xf32>
    %dot_general3A_517 = tpu.matmul %broadcast_in_dim3A_10, %select_n3A_515, %dot_general3A_516 {dimension_numbers = #tpu.dot_dimension_numbers<[1], [0], [0], [1], [0, 0, 1, 1], [], []>, transpose_lhs_hint = false} : vector<1x512xf32>, vector<512x1024xf32>, vector<1x1024xf32> -> vector<1x1024xf32>
    %add3A_518 = arith.addf %add3A_465, %dot_general3A_517 : vector<1x1024xf32>
    %reduce_sum3A_519 = vector.shape_cast %broadcast_in_dim3A_502 : vector<512x1xf32> to vector<1x512x1xf32>
    %reduce_sum3A_520 = arith.constant dense<0.000000e+00> : vector<1xf32>
    %reduce_sum3A_521 = vector.multi_reduction <add>, %reduce_sum3A_519, %reduce_sum3A_520 [1, 2] : vector<1x512x1xf32> to vector<1xf32>
    %reduce_sum3A_522 = vector.shape_cast %reduce_sum3A_521 : vector<1xf32> to vector<1x1x1xf32>
    %reduce_sum3A_523 = vector.extract %reduce_sum3A_522[0, 0, 0] : f32 from vector<1x1x1xf32>
    %reshape3A_524 = vector.broadcast %reduce_sum3A_523 : f32 to vector<1x1xf32>
    %add3A_525 = arith.addf %add3A_472, %reshape3A_524 : vector<1x1xf32>
    %broadcast_in_dim3A_526 = vector.shape_cast %reduce_min3A_510 : vector<512xi32> to vector<512x1xi32>
    %broadcast_in_dim3A_527 = vector.shape_cast %reduce_min3A_510 : vector<512xi32> to vector<512x1xi32>
    %add3A_528 = arith.constant 9216 : i32
    %add3A_529 = vector.broadcast %add3A_528 : i32 to vector<512x1xi32>
    %add3A_530 = arith.addi %broadcast_in_dim3A_527, %add3A_529 : vector<512x1xi32>
    %slice3A_531 = vector.extract_strided_slice %get3A_3 {offsets = [0, 640], sizes = [512, 64], strides = [1, 1]} : vector<512x1024xf32> to vector<512x64xf32>
    %slice3A_532 = vector.extract_strided_slice %mul3A_5 {offsets = [0, 640], sizes = [512, 64], strides = [1, 1]} : vector<512x1024xf32> to vector<512x64xf32>
    %get3A_533 = arith.constant 10 : index
    %get3A_534 = arith.constant 0 : index
    %get3A_535 = arith.constant 0 : index
    %get3A_536 = vector.load %arg2[%get3A_533, %get3A_534, %get3A_535] : memref<16x1024x64xf32, #tpu.memory_space<vmem>>, vector<1x1024x64xf32>
    %get3A_537 = vector.shape_cast %get3A_536 : vector<1x1024x64xf32> to vector<1024x64xf32>
    %dot_general3A_538 = arith.constant dense<0.000000e+00> : vector<512x1024xf32>
    %dot_general3A_539 = tpu.matmul %slice3A_532, %get3A_537, %dot_general3A_538 {dimension_numbers = #tpu.dot_dimension_numbers<[1], [1], [0], [0], [0, 0, 1, 0], [], []>, transpose_lhs_hint = false} : vector<512x64xf32>, vector<1024x64xf32>, vector<512x1024xf32> -> vector<512x1024xf32>
    %mul3A_540 = arith.mulf %slice3A_531, %slice3A_531 : vector<512x64xf32>
    %reduce_sum3A_541 = arith.constant dense<0.000000e+00> : vector<512xf32>
    %reduce_sum3A_542 = vector.multi_reduction <add>, %mul3A_540, %reduce_sum3A_541 [1] : vector<512x64xf32> to vector<512xf32>
    %broadcast_in_dim3A_543 = vector.shape_cast %reduce_sum3A_542 : vector<512xf32> to vector<512x1xf32>
    %add3A_544 = vector.broadcast %broadcast_in_dim3A_543 : vector<512x1xf32> to vector<512x1024xf32>
    %add3A_545 = arith.addf %add3A_544, %dot_general3A_539 : vector<512x1024xf32>
    %get3A_546 = arith.constant 10 : index
    %get3A_547 = arith.constant 0 : index
    %get3A_548 = arith.constant 0 : index
    %get3A_549 = vector.load %arg9[%get3A_546, %get3A_547, %get3A_548] : memref<16x1x1024xf32, #tpu.memory_space<vmem>>, vector<1x1x1024xf32>
    %get3A_550 = vector.shape_cast %get3A_549 : vector<1x1x1024xf32> to vector<1x1024xf32>
    %add3A_551 = vector.broadcast %get3A_550 : vector<1x1024xf32> to vector<512x1024xf32>
    %add3A_552 = arith.addf %add3A_545, %add3A_551 : vector<512x1024xf32>
    %reduce_min3A_553 = arith.constant dense<0x7F800000> : vector<512xf32>
    %reduce_min3A_554 = vector.multi_reduction <minimumf>, %add3A_552, %reduce_min3A_553 [1] : vector<512x1024xf32> to vector<512xf32>
    %broadcast_in_dim3A_555 = vector.shape_cast %reduce_min3A_554 : vector<512xf32> to vector<512x1xf32>
    %le3A_556 = vector.broadcast %broadcast_in_dim3A_555 : vector<512x1xf32> to vector<512x1024xf32>
    %le3A_557 = arith.cmpf ole, %add3A_552, %le3A_556 : vector<512x1024xf32>
    %iota3A_558 = tpu.iota {dimensions = array<i32: 1>} : vector<512x1024xi32>
    %jit3A_559 = arith.constant 1024 : i32
    %broadcast_in_dim3A_560 = vector.broadcast %jit3A_559 : i32 to vector<512x1024xi32>
    %select_n3A_561 = arith.select %le3A_557, %iota3A_558, %broadcast_in_dim3A_560 : vector<512x1024xi1>, vector<512x1024xi32>
    %reduce_min3A_562 = arith.constant dense<2147483647> : vector<512xi32>
    %reduce_min3A_563 = vector.multi_reduction <minsi>, %select_n3A_561, %reduce_min3A_562 [1] : vector<512x1024xi32> to vector<512xi32>
    %jit3A_564 = arith.constant 1.000000e+00 : f32
    %jit3A_565 = arith.constant 0.000000e+00 : f32
    %broadcast_in_dim3A_566 = vector.broadcast %jit3A_564 : f32 to vector<512x1024xf32>
    %broadcast_in_dim3A_567 = vector.broadcast %jit3A_565 : f32 to vector<512x1024xf32>
    %select_n3A_568 = arith.select %le3A_557, %broadcast_in_dim3A_566, %broadcast_in_dim3A_567 : vector<512x1024xi1>, vector<512x1024xf32>
    %dot_general3A_569 = arith.constant dense<0.000000e+00> : vector<1x1024xf32>
    %dot_general3A_570 = tpu.matmul %broadcast_in_dim3A_10, %select_n3A_568, %dot_general3A_569 {dimension_numbers = #tpu.dot_dimension_numbers<[1], [0], [0], [1], [0, 0, 1, 1], [], []>, transpose_lhs_hint = false} : vector<1x512xf32>, vector<512x1024xf32>, vector<1x1024xf32> -> vector<1x1024xf32>
    %add3A_571 = arith.addf %add3A_518, %dot_general3A_570 : vector<1x1024xf32>
    %reduce_sum3A_572 = vector.shape_cast %broadcast_in_dim3A_555 : vector<512x1xf32> to vector<1x512x1xf32>
    %reduce_sum3A_573 = arith.constant dense<0.000000e+00> : vector<1xf32>
    %reduce_sum3A_574 = vector.multi_reduction <add>, %reduce_sum3A_572, %reduce_sum3A_573 [1, 2] : vector<1x512x1xf32> to vector<1xf32>
    %reduce_sum3A_575 = vector.shape_cast %reduce_sum3A_574 : vector<1xf32> to vector<1x1x1xf32>
    %reduce_sum3A_576 = vector.extract %reduce_sum3A_575[0, 0, 0] : f32 from vector<1x1x1xf32>
    %reshape3A_577 = vector.broadcast %reduce_sum3A_576 : f32 to vector<1x1xf32>
    %add3A_578 = arith.addf %add3A_525, %reshape3A_577 : vector<1x1xf32>
    %broadcast_in_dim3A_579 = vector.shape_cast %reduce_min3A_563 : vector<512xi32> to vector<512x1xi32>
    %broadcast_in_dim3A_580 = vector.shape_cast %reduce_min3A_563 : vector<512xi32> to vector<512x1xi32>
    %add3A_581 = arith.constant 10240 : i32
    %add3A_582 = vector.broadcast %add3A_581 : i32 to vector<512x1xi32>
    %add3A_583 = arith.addi %broadcast_in_dim3A_580, %add3A_582 : vector<512x1xi32>
    %slice3A_584 = vector.extract_strided_slice %get3A_3 {offsets = [0, 704], sizes = [512, 64], strides = [1, 1]} : vector<512x1024xf32> to vector<512x64xf32>
    %slice3A_585 = vector.extract_strided_slice %mul3A_5 {offsets = [0, 704], sizes = [512, 64], strides = [1, 1]} : vector<512x1024xf32> to vector<512x64xf32>
    %get3A_586 = arith.constant 11 : index
    %get3A_587 = arith.constant 0 : index
    %get3A_588 = arith.constant 0 : index
    %get3A_589 = vector.load %arg2[%get3A_586, %get3A_587, %get3A_588] : memref<16x1024x64xf32, #tpu.memory_space<vmem>>, vector<1x1024x64xf32>
    %get3A_590 = vector.shape_cast %get3A_589 : vector<1x1024x64xf32> to vector<1024x64xf32>
    %dot_general3A_591 = arith.constant dense<0.000000e+00> : vector<512x1024xf32>
    %dot_general3A_592 = tpu.matmul %slice3A_585, %get3A_590, %dot_general3A_591 {dimension_numbers = #tpu.dot_dimension_numbers<[1], [1], [0], [0], [0, 0, 1, 0], [], []>, transpose_lhs_hint = false} : vector<512x64xf32>, vector<1024x64xf32>, vector<512x1024xf32> -> vector<512x1024xf32>
    %mul3A_593 = arith.mulf %slice3A_584, %slice3A_584 : vector<512x64xf32>
    %reduce_sum3A_594 = arith.constant dense<0.000000e+00> : vector<512xf32>
    %reduce_sum3A_595 = vector.multi_reduction <add>, %mul3A_593, %reduce_sum3A_594 [1] : vector<512x64xf32> to vector<512xf32>
    %broadcast_in_dim3A_596 = vector.shape_cast %reduce_sum3A_595 : vector<512xf32> to vector<512x1xf32>
    %add3A_597 = vector.broadcast %broadcast_in_dim3A_596 : vector<512x1xf32> to vector<512x1024xf32>
    %add3A_598 = arith.addf %add3A_597, %dot_general3A_592 : vector<512x1024xf32>
    %get3A_599 = arith.constant 11 : index
    %get3A_600 = arith.constant 0 : index
    %get3A_601 = arith.constant 0 : index
    %get3A_602 = vector.load %arg9[%get3A_599, %get3A_600, %get3A_601] : memref<16x1x1024xf32, #tpu.memory_space<vmem>>, vector<1x1x1024xf32>
    %get3A_603 = vector.shape_cast %get3A_602 : vector<1x1x1024xf32> to vector<1x1024xf32>
    %add3A_604 = vector.broadcast %get3A_603 : vector<1x1024xf32> to vector<512x1024xf32>
    %add3A_605 = arith.addf %add3A_598, %add3A_604 : vector<512x1024xf32>
    %reduce_min3A_606 = arith.constant dense<0x7F800000> : vector<512xf32>
    %reduce_min3A_607 = vector.multi_reduction <minimumf>, %add3A_605, %reduce_min3A_606 [1] : vector<512x1024xf32> to vector<512xf32>
    %broadcast_in_dim3A_608 = vector.shape_cast %reduce_min3A_607 : vector<512xf32> to vector<512x1xf32>
    %le3A_609 = vector.broadcast %broadcast_in_dim3A_608 : vector<512x1xf32> to vector<512x1024xf32>
    %le3A_610 = arith.cmpf ole, %add3A_605, %le3A_609 : vector<512x1024xf32>
    %iota3A_611 = tpu.iota {dimensions = array<i32: 1>} : vector<512x1024xi32>
    %jit3A_612 = arith.constant 1024 : i32
    %broadcast_in_dim3A_613 = vector.broadcast %jit3A_612 : i32 to vector<512x1024xi32>
    %select_n3A_614 = arith.select %le3A_610, %iota3A_611, %broadcast_in_dim3A_613 : vector<512x1024xi1>, vector<512x1024xi32>
    %reduce_min3A_615 = arith.constant dense<2147483647> : vector<512xi32>
    %reduce_min3A_616 = vector.multi_reduction <minsi>, %select_n3A_614, %reduce_min3A_615 [1] : vector<512x1024xi32> to vector<512xi32>
    %jit3A_617 = arith.constant 1.000000e+00 : f32
    %jit3A_618 = arith.constant 0.000000e+00 : f32
    %broadcast_in_dim3A_619 = vector.broadcast %jit3A_617 : f32 to vector<512x1024xf32>
    %broadcast_in_dim3A_620 = vector.broadcast %jit3A_618 : f32 to vector<512x1024xf32>
    %select_n3A_621 = arith.select %le3A_610, %broadcast_in_dim3A_619, %broadcast_in_dim3A_620 : vector<512x1024xi1>, vector<512x1024xf32>
    %dot_general3A_622 = arith.constant dense<0.000000e+00> : vector<1x1024xf32>
    %dot_general3A_623 = tpu.matmul %broadcast_in_dim3A_10, %select_n3A_621, %dot_general3A_622 {dimension_numbers = #tpu.dot_dimension_numbers<[1], [0], [0], [1], [0, 0, 1, 1], [], []>, transpose_lhs_hint = false} : vector<1x512xf32>, vector<512x1024xf32>, vector<1x1024xf32> -> vector<1x1024xf32>
    %add3A_624 = arith.addf %add3A_571, %dot_general3A_623 : vector<1x1024xf32>
    %reduce_sum3A_625 = vector.shape_cast %broadcast_in_dim3A_608 : vector<512x1xf32> to vector<1x512x1xf32>
    %reduce_sum3A_626 = arith.constant dense<0.000000e+00> : vector<1xf32>
    %reduce_sum3A_627 = vector.multi_reduction <add>, %reduce_sum3A_625, %reduce_sum3A_626 [1, 2] : vector<1x512x1xf32> to vector<1xf32>
    %reduce_sum3A_628 = vector.shape_cast %reduce_sum3A_627 : vector<1xf32> to vector<1x1x1xf32>
    %reduce_sum3A_629 = vector.extract %reduce_sum3A_628[0, 0, 0] : f32 from vector<1x1x1xf32>
    %reshape3A_630 = vector.broadcast %reduce_sum3A_629 : f32 to vector<1x1xf32>
    %add3A_631 = arith.addf %add3A_578, %reshape3A_630 : vector<1x1xf32>
    %broadcast_in_dim3A_632 = vector.shape_cast %reduce_min3A_616 : vector<512xi32> to vector<512x1xi32>
    %broadcast_in_dim3A_633 = vector.shape_cast %reduce_min3A_616 : vector<512xi32> to vector<512x1xi32>
    %add3A_634 = arith.constant 11264 : i32
    %add3A_635 = vector.broadcast %add3A_634 : i32 to vector<512x1xi32>
    %add3A_636 = arith.addi %broadcast_in_dim3A_633, %add3A_635 : vector<512x1xi32>
    %slice3A_637 = vector.extract_strided_slice %get3A_3 {offsets = [0, 768], sizes = [512, 64], strides = [1, 1]} : vector<512x1024xf32> to vector<512x64xf32>
    %slice3A_638 = vector.extract_strided_slice %mul3A_5 {offsets = [0, 768], sizes = [512, 64], strides = [1, 1]} : vector<512x1024xf32> to vector<512x64xf32>
    %get3A_639 = arith.constant 12 : index
    %get3A_640 = arith.constant 0 : index
    %get3A_641 = arith.constant 0 : index
    %get3A_642 = vector.load %arg2[%get3A_639, %get3A_640, %get3A_641] : memref<16x1024x64xf32, #tpu.memory_space<vmem>>, vector<1x1024x64xf32>
    %get3A_643 = vector.shape_cast %get3A_642 : vector<1x1024x64xf32> to vector<1024x64xf32>
    %dot_general3A_644 = arith.constant dense<0.000000e+00> : vector<512x1024xf32>
    %dot_general3A_645 = tpu.matmul %slice3A_638, %get3A_643, %dot_general3A_644 {dimension_numbers = #tpu.dot_dimension_numbers<[1], [1], [0], [0], [0, 0, 1, 0], [], []>, transpose_lhs_hint = false} : vector<512x64xf32>, vector<1024x64xf32>, vector<512x1024xf32> -> vector<512x1024xf32>
    %mul3A_646 = arith.mulf %slice3A_637, %slice3A_637 : vector<512x64xf32>
    %reduce_sum3A_647 = arith.constant dense<0.000000e+00> : vector<512xf32>
    %reduce_sum3A_648 = vector.multi_reduction <add>, %mul3A_646, %reduce_sum3A_647 [1] : vector<512x64xf32> to vector<512xf32>
    %broadcast_in_dim3A_649 = vector.shape_cast %reduce_sum3A_648 : vector<512xf32> to vector<512x1xf32>
    %add3A_650 = vector.broadcast %broadcast_in_dim3A_649 : vector<512x1xf32> to vector<512x1024xf32>
    %add3A_651 = arith.addf %add3A_650, %dot_general3A_645 : vector<512x1024xf32>
    %get3A_652 = arith.constant 12 : index
    %get3A_653 = arith.constant 0 : index
    %get3A_654 = arith.constant 0 : index
    %get3A_655 = vector.load %arg9[%get3A_652, %get3A_653, %get3A_654] : memref<16x1x1024xf32, #tpu.memory_space<vmem>>, vector<1x1x1024xf32>
    %get3A_656 = vector.shape_cast %get3A_655 : vector<1x1x1024xf32> to vector<1x1024xf32>
    %add3A_657 = vector.broadcast %get3A_656 : vector<1x1024xf32> to vector<512x1024xf32>
    %add3A_658 = arith.addf %add3A_651, %add3A_657 : vector<512x1024xf32>
    %reduce_min3A_659 = arith.constant dense<0x7F800000> : vector<512xf32>
    %reduce_min3A_660 = vector.multi_reduction <minimumf>, %add3A_658, %reduce_min3A_659 [1] : vector<512x1024xf32> to vector<512xf32>
    %broadcast_in_dim3A_661 = vector.shape_cast %reduce_min3A_660 : vector<512xf32> to vector<512x1xf32>
    %le3A_662 = vector.broadcast %broadcast_in_dim3A_661 : vector<512x1xf32> to vector<512x1024xf32>
    %le3A_663 = arith.cmpf ole, %add3A_658, %le3A_662 : vector<512x1024xf32>
    %iota3A_664 = tpu.iota {dimensions = array<i32: 1>} : vector<512x1024xi32>
    %jit3A_665 = arith.constant 1024 : i32
    %broadcast_in_dim3A_666 = vector.broadcast %jit3A_665 : i32 to vector<512x1024xi32>
    %select_n3A_667 = arith.select %le3A_663, %iota3A_664, %broadcast_in_dim3A_666 : vector<512x1024xi1>, vector<512x1024xi32>
    %reduce_min3A_668 = arith.constant dense<2147483647> : vector<512xi32>
    %reduce_min3A_669 = vector.multi_reduction <minsi>, %select_n3A_667, %reduce_min3A_668 [1] : vector<512x1024xi32> to vector<512xi32>
    %jit3A_670 = arith.constant 1.000000e+00 : f32
    %jit3A_671 = arith.constant 0.000000e+00 : f32
    %broadcast_in_dim3A_672 = vector.broadcast %jit3A_670 : f32 to vector<512x1024xf32>
    %broadcast_in_dim3A_673 = vector.broadcast %jit3A_671 : f32 to vector<512x1024xf32>
    %select_n3A_674 = arith.select %le3A_663, %broadcast_in_dim3A_672, %broadcast_in_dim3A_673 : vector<512x1024xi1>, vector<512x1024xf32>
    %dot_general3A_675 = arith.constant dense<0.000000e+00> : vector<1x1024xf32>
    %dot_general3A_676 = tpu.matmul %broadcast_in_dim3A_10, %select_n3A_674, %dot_general3A_675 {dimension_numbers = #tpu.dot_dimension_numbers<[1], [0], [0], [1], [0, 0, 1, 1], [], []>, transpose_lhs_hint = false} : vector<1x512xf32>, vector<512x1024xf32>, vector<1x1024xf32> -> vector<1x1024xf32>
    %add3A_677 = arith.addf %add3A_624, %dot_general3A_676 : vector<1x1024xf32>
    %reduce_sum3A_678 = vector.shape_cast %broadcast_in_dim3A_661 : vector<512x1xf32> to vector<1x512x1xf32>
    %reduce_sum3A_679 = arith.constant dense<0.000000e+00> : vector<1xf32>
    %reduce_sum3A_680 = vector.multi_reduction <add>, %reduce_sum3A_678, %reduce_sum3A_679 [1, 2] : vector<1x512x1xf32> to vector<1xf32>
    %reduce_sum3A_681 = vector.shape_cast %reduce_sum3A_680 : vector<1xf32> to vector<1x1x1xf32>
    %reduce_sum3A_682 = vector.extract %reduce_sum3A_681[0, 0, 0] : f32 from vector<1x1x1xf32>
    %reshape3A_683 = vector.broadcast %reduce_sum3A_682 : f32 to vector<1x1xf32>
    %add3A_684 = arith.addf %add3A_631, %reshape3A_683 : vector<1x1xf32>
    %broadcast_in_dim3A_685 = vector.shape_cast %reduce_min3A_669 : vector<512xi32> to vector<512x1xi32>
    %broadcast_in_dim3A_686 = vector.shape_cast %reduce_min3A_669 : vector<512xi32> to vector<512x1xi32>
    %add3A_687 = arith.constant 12288 : i32
    %add3A_688 = vector.broadcast %add3A_687 : i32 to vector<512x1xi32>
    %add3A_689 = arith.addi %broadcast_in_dim3A_686, %add3A_688 : vector<512x1xi32>
    %slice3A_690 = vector.extract_strided_slice %get3A_3 {offsets = [0, 832], sizes = [512, 64], strides = [1, 1]} : vector<512x1024xf32> to vector<512x64xf32>
    %slice3A_691 = vector.extract_strided_slice %mul3A_5 {offsets = [0, 832], sizes = [512, 64], strides = [1, 1]} : vector<512x1024xf32> to vector<512x64xf32>
    %get3A_692 = arith.constant 13 : index
    %get3A_693 = arith.constant 0 : index
    %get3A_694 = arith.constant 0 : index
    %get3A_695 = vector.load %arg2[%get3A_692, %get3A_693, %get3A_694] : memref<16x1024x64xf32, #tpu.memory_space<vmem>>, vector<1x1024x64xf32>
    %get3A_696 = vector.shape_cast %get3A_695 : vector<1x1024x64xf32> to vector<1024x64xf32>
    %dot_general3A_697 = arith.constant dense<0.000000e+00> : vector<512x1024xf32>
    %dot_general3A_698 = tpu.matmul %slice3A_691, %get3A_696, %dot_general3A_697 {dimension_numbers = #tpu.dot_dimension_numbers<[1], [1], [0], [0], [0, 0, 1, 0], [], []>, transpose_lhs_hint = false} : vector<512x64xf32>, vector<1024x64xf32>, vector<512x1024xf32> -> vector<512x1024xf32>
    %mul3A_699 = arith.mulf %slice3A_690, %slice3A_690 : vector<512x64xf32>
    %reduce_sum3A_700 = arith.constant dense<0.000000e+00> : vector<512xf32>
    %reduce_sum3A_701 = vector.multi_reduction <add>, %mul3A_699, %reduce_sum3A_700 [1] : vector<512x64xf32> to vector<512xf32>
    %broadcast_in_dim3A_702 = vector.shape_cast %reduce_sum3A_701 : vector<512xf32> to vector<512x1xf32>
    %add3A_703 = vector.broadcast %broadcast_in_dim3A_702 : vector<512x1xf32> to vector<512x1024xf32>
    %add3A_704 = arith.addf %add3A_703, %dot_general3A_698 : vector<512x1024xf32>
    %get3A_705 = arith.constant 13 : index
    %get3A_706 = arith.constant 0 : index
    %get3A_707 = arith.constant 0 : index
    %get3A_708 = vector.load %arg9[%get3A_705, %get3A_706, %get3A_707] : memref<16x1x1024xf32, #tpu.memory_space<vmem>>, vector<1x1x1024xf32>
    %get3A_709 = vector.shape_cast %get3A_708 : vector<1x1x1024xf32> to vector<1x1024xf32>
    %add3A_710 = vector.broadcast %get3A_709 : vector<1x1024xf32> to vector<512x1024xf32>
    %add3A_711 = arith.addf %add3A_704, %add3A_710 : vector<512x1024xf32>
    %reduce_min3A_712 = arith.constant dense<0x7F800000> : vector<512xf32>
    %reduce_min3A_713 = vector.multi_reduction <minimumf>, %add3A_711, %reduce_min3A_712 [1] : vector<512x1024xf32> to vector<512xf32>
    %broadcast_in_dim3A_714 = vector.shape_cast %reduce_min3A_713 : vector<512xf32> to vector<512x1xf32>
    %le3A_715 = vector.broadcast %broadcast_in_dim3A_714 : vector<512x1xf32> to vector<512x1024xf32>
    %le3A_716 = arith.cmpf ole, %add3A_711, %le3A_715 : vector<512x1024xf32>
    %iota3A_717 = tpu.iota {dimensions = array<i32: 1>} : vector<512x1024xi32>
    %jit3A_718 = arith.constant 1024 : i32
    %broadcast_in_dim3A_719 = vector.broadcast %jit3A_718 : i32 to vector<512x1024xi32>
    %select_n3A_720 = arith.select %le3A_716, %iota3A_717, %broadcast_in_dim3A_719 : vector<512x1024xi1>, vector<512x1024xi32>
    %reduce_min3A_721 = arith.constant dense<2147483647> : vector<512xi32>
    %reduce_min3A_722 = vector.multi_reduction <minsi>, %select_n3A_720, %reduce_min3A_721 [1] : vector<512x1024xi32> to vector<512xi32>
    %jit3A_723 = arith.constant 1.000000e+00 : f32
    %jit3A_724 = arith.constant 0.000000e+00 : f32
    %broadcast_in_dim3A_725 = vector.broadcast %jit3A_723 : f32 to vector<512x1024xf32>
    %broadcast_in_dim3A_726 = vector.broadcast %jit3A_724 : f32 to vector<512x1024xf32>
    %select_n3A_727 = arith.select %le3A_716, %broadcast_in_dim3A_725, %broadcast_in_dim3A_726 : vector<512x1024xi1>, vector<512x1024xf32>
    %dot_general3A_728 = arith.constant dense<0.000000e+00> : vector<1x1024xf32>
    %dot_general3A_729 = tpu.matmul %broadcast_in_dim3A_10, %select_n3A_727, %dot_general3A_728 {dimension_numbers = #tpu.dot_dimension_numbers<[1], [0], [0], [1], [0, 0, 1, 1], [], []>, transpose_lhs_hint = false} : vector<1x512xf32>, vector<512x1024xf32>, vector<1x1024xf32> -> vector<1x1024xf32>
    %add3A_730 = arith.addf %add3A_677, %dot_general3A_729 : vector<1x1024xf32>
    %reduce_sum3A_731 = vector.shape_cast %broadcast_in_dim3A_714 : vector<512x1xf32> to vector<1x512x1xf32>
    %reduce_sum3A_732 = arith.constant dense<0.000000e+00> : vector<1xf32>
    %reduce_sum3A_733 = vector.multi_reduction <add>, %reduce_sum3A_731, %reduce_sum3A_732 [1, 2] : vector<1x512x1xf32> to vector<1xf32>
    %reduce_sum3A_734 = vector.shape_cast %reduce_sum3A_733 : vector<1xf32> to vector<1x1x1xf32>
    %reduce_sum3A_735 = vector.extract %reduce_sum3A_734[0, 0, 0] : f32 from vector<1x1x1xf32>
    %reshape3A_736 = vector.broadcast %reduce_sum3A_735 : f32 to vector<1x1xf32>
    %add3A_737 = arith.addf %add3A_684, %reshape3A_736 : vector<1x1xf32>
    %broadcast_in_dim3A_738 = vector.shape_cast %reduce_min3A_722 : vector<512xi32> to vector<512x1xi32>
    %broadcast_in_dim3A_739 = vector.shape_cast %reduce_min3A_722 : vector<512xi32> to vector<512x1xi32>
    %add3A_740 = arith.constant 13312 : i32
    %add3A_741 = vector.broadcast %add3A_740 : i32 to vector<512x1xi32>
    %add3A_742 = arith.addi %broadcast_in_dim3A_739, %add3A_741 : vector<512x1xi32>
    %slice3A_743 = vector.extract_strided_slice %get3A_3 {offsets = [0, 896], sizes = [512, 64], strides = [1, 1]} : vector<512x1024xf32> to vector<512x64xf32>
    %slice3A_744 = vector.extract_strided_slice %mul3A_5 {offsets = [0, 896], sizes = [512, 64], strides = [1, 1]} : vector<512x1024xf32> to vector<512x64xf32>
    %get3A_745 = arith.constant 14 : index
    %get3A_746 = arith.constant 0 : index
    %get3A_747 = arith.constant 0 : index
    %get3A_748 = vector.load %arg2[%get3A_745, %get3A_746, %get3A_747] : memref<16x1024x64xf32, #tpu.memory_space<vmem>>, vector<1x1024x64xf32>
    %get3A_749 = vector.shape_cast %get3A_748 : vector<1x1024x64xf32> to vector<1024x64xf32>
    %dot_general3A_750 = arith.constant dense<0.000000e+00> : vector<512x1024xf32>
    %dot_general3A_751 = tpu.matmul %slice3A_744, %get3A_749, %dot_general3A_750 {dimension_numbers = #tpu.dot_dimension_numbers<[1], [1], [0], [0], [0, 0, 1, 0], [], []>, transpose_lhs_hint = false} : vector<512x64xf32>, vector<1024x64xf32>, vector<512x1024xf32> -> vector<512x1024xf32>
    %mul3A_752 = arith.mulf %slice3A_743, %slice3A_743 : vector<512x64xf32>
    %reduce_sum3A_753 = arith.constant dense<0.000000e+00> : vector<512xf32>
    %reduce_sum3A_754 = vector.multi_reduction <add>, %mul3A_752, %reduce_sum3A_753 [1] : vector<512x64xf32> to vector<512xf32>
    %broadcast_in_dim3A_755 = vector.shape_cast %reduce_sum3A_754 : vector<512xf32> to vector<512x1xf32>
    %add3A_756 = vector.broadcast %broadcast_in_dim3A_755 : vector<512x1xf32> to vector<512x1024xf32>
    %add3A_757 = arith.addf %add3A_756, %dot_general3A_751 : vector<512x1024xf32>
    %get3A_758 = arith.constant 14 : index
    %get3A_759 = arith.constant 0 : index
    %get3A_760 = arith.constant 0 : index
    %get3A_761 = vector.load %arg9[%get3A_758, %get3A_759, %get3A_760] : memref<16x1x1024xf32, #tpu.memory_space<vmem>>, vector<1x1x1024xf32>
    %get3A_762 = vector.shape_cast %get3A_761 : vector<1x1x1024xf32> to vector<1x1024xf32>
    %add3A_763 = vector.broadcast %get3A_762 : vector<1x1024xf32> to vector<512x1024xf32>
    %add3A_764 = arith.addf %add3A_757, %add3A_763 : vector<512x1024xf32>
    %reduce_min3A_765 = arith.constant dense<0x7F800000> : vector<512xf32>
    %reduce_min3A_766 = vector.multi_reduction <minimumf>, %add3A_764, %reduce_min3A_765 [1] : vector<512x1024xf32> to vector<512xf32>
    %broadcast_in_dim3A_767 = vector.shape_cast %reduce_min3A_766 : vector<512xf32> to vector<512x1xf32>
    %le3A_768 = vector.broadcast %broadcast_in_dim3A_767 : vector<512x1xf32> to vector<512x1024xf32>
    %le3A_769 = arith.cmpf ole, %add3A_764, %le3A_768 : vector<512x1024xf32>
    %iota3A_770 = tpu.iota {dimensions = array<i32: 1>} : vector<512x1024xi32>
    %jit3A_771 = arith.constant 1024 : i32
    %broadcast_in_dim3A_772 = vector.broadcast %jit3A_771 : i32 to vector<512x1024xi32>
    %select_n3A_773 = arith.select %le3A_769, %iota3A_770, %broadcast_in_dim3A_772 : vector<512x1024xi1>, vector<512x1024xi32>
    %reduce_min3A_774 = arith.constant dense<2147483647> : vector<512xi32>
    %reduce_min3A_775 = vector.multi_reduction <minsi>, %select_n3A_773, %reduce_min3A_774 [1] : vector<512x1024xi32> to vector<512xi32>
    %jit3A_776 = arith.constant 1.000000e+00 : f32
    %jit3A_777 = arith.constant 0.000000e+00 : f32
    %broadcast_in_dim3A_778 = vector.broadcast %jit3A_776 : f32 to vector<512x1024xf32>
    %broadcast_in_dim3A_779 = vector.broadcast %jit3A_777 : f32 to vector<512x1024xf32>
    %select_n3A_780 = arith.select %le3A_769, %broadcast_in_dim3A_778, %broadcast_in_dim3A_779 : vector<512x1024xi1>, vector<512x1024xf32>
    %dot_general3A_781 = arith.constant dense<0.000000e+00> : vector<1x1024xf32>
    %dot_general3A_782 = tpu.matmul %broadcast_in_dim3A_10, %select_n3A_780, %dot_general3A_781 {dimension_numbers = #tpu.dot_dimension_numbers<[1], [0], [0], [1], [0, 0, 1, 1], [], []>, transpose_lhs_hint = false} : vector<1x512xf32>, vector<512x1024xf32>, vector<1x1024xf32> -> vector<1x1024xf32>
    %add3A_783 = arith.addf %add3A_730, %dot_general3A_782 : vector<1x1024xf32>
    %reduce_sum3A_784 = vector.shape_cast %broadcast_in_dim3A_767 : vector<512x1xf32> to vector<1x512x1xf32>
    %reduce_sum3A_785 = arith.constant dense<0.000000e+00> : vector<1xf32>
    %reduce_sum3A_786 = vector.multi_reduction <add>, %reduce_sum3A_784, %reduce_sum3A_785 [1, 2] : vector<1x512x1xf32> to vector<1xf32>
    %reduce_sum3A_787 = vector.shape_cast %reduce_sum3A_786 : vector<1xf32> to vector<1x1x1xf32>
    %reduce_sum3A_788 = vector.extract %reduce_sum3A_787[0, 0, 0] : f32 from vector<1x1x1xf32>
    %reshape3A_789 = vector.broadcast %reduce_sum3A_788 : f32 to vector<1x1xf32>
    %add3A_790 = arith.addf %add3A_737, %reshape3A_789 : vector<1x1xf32>
    %broadcast_in_dim3A_791 = vector.shape_cast %reduce_min3A_775 : vector<512xi32> to vector<512x1xi32>
    %broadcast_in_dim3A_792 = vector.shape_cast %reduce_min3A_775 : vector<512xi32> to vector<512x1xi32>
    %add3A_793 = arith.constant 14336 : i32
    %add3A_794 = vector.broadcast %add3A_793 : i32 to vector<512x1xi32>
    %add3A_795 = arith.addi %broadcast_in_dim3A_792, %add3A_794 : vector<512x1xi32>
    %slice3A_796 = vector.extract_strided_slice %get3A_3 {offsets = [0, 960], sizes = [512, 64], strides = [1, 1]} : vector<512x1024xf32> to vector<512x64xf32>
    %slice3A_797 = vector.extract_strided_slice %mul3A_5 {offsets = [0, 960], sizes = [512, 64], strides = [1, 1]} : vector<512x1024xf32> to vector<512x64xf32>
    %get3A_798 = arith.constant 15 : index
    %get3A_799 = arith.constant 0 : index
    %get3A_800 = arith.constant 0 : index
    %get3A_801 = vector.load %arg2[%get3A_798, %get3A_799, %get3A_800] : memref<16x1024x64xf32, #tpu.memory_space<vmem>>, vector<1x1024x64xf32>
    %get3A_802 = vector.shape_cast %get3A_801 : vector<1x1024x64xf32> to vector<1024x64xf32>
    %dot_general3A_803 = arith.constant dense<0.000000e+00> : vector<512x1024xf32>
    %dot_general3A_804 = tpu.matmul %slice3A_797, %get3A_802, %dot_general3A_803 {dimension_numbers = #tpu.dot_dimension_numbers<[1], [1], [0], [0], [0, 0, 1, 0], [], []>, transpose_lhs_hint = false} : vector<512x64xf32>, vector<1024x64xf32>, vector<512x1024xf32> -> vector<512x1024xf32>
    %mul3A_805 = arith.mulf %slice3A_796, %slice3A_796 : vector<512x64xf32>
    %reduce_sum3A_806 = arith.constant dense<0.000000e+00> : vector<512xf32>
    %reduce_sum3A_807 = vector.multi_reduction <add>, %mul3A_805, %reduce_sum3A_806 [1] : vector<512x64xf32> to vector<512xf32>
    %broadcast_in_dim3A_808 = vector.shape_cast %reduce_sum3A_807 : vector<512xf32> to vector<512x1xf32>
    %add3A_809 = vector.broadcast %broadcast_in_dim3A_808 : vector<512x1xf32> to vector<512x1024xf32>
    %add3A_810 = arith.addf %add3A_809, %dot_general3A_804 : vector<512x1024xf32>
    %get3A_811 = arith.constant 15 : index
    %get3A_812 = arith.constant 0 : index
    %get3A_813 = arith.constant 0 : index
    %get3A_814 = vector.load %arg9[%get3A_811, %get3A_812, %get3A_813] : memref<16x1x1024xf32, #tpu.memory_space<vmem>>, vector<1x1x1024xf32>
    %get3A_815 = vector.shape_cast %get3A_814 : vector<1x1x1024xf32> to vector<1x1024xf32>
    %add3A_816 = vector.broadcast %get3A_815 : vector<1x1024xf32> to vector<512x1024xf32>
    %add3A_817 = arith.addf %add3A_810, %add3A_816 : vector<512x1024xf32>
    %reduce_min3A_818 = arith.constant dense<0x7F800000> : vector<512xf32>
    %reduce_min3A_819 = vector.multi_reduction <minimumf>, %add3A_817, %reduce_min3A_818 [1] : vector<512x1024xf32> to vector<512xf32>
    %broadcast_in_dim3A_820 = vector.shape_cast %reduce_min3A_819 : vector<512xf32> to vector<512x1xf32>
    %le3A_821 = vector.broadcast %broadcast_in_dim3A_820 : vector<512x1xf32> to vector<512x1024xf32>
    %le3A_822 = arith.cmpf ole, %add3A_817, %le3A_821 : vector<512x1024xf32>
    %iota3A_823 = tpu.iota {dimensions = array<i32: 1>} : vector<512x1024xi32>
    %jit3A_824 = arith.constant 1024 : i32
    %broadcast_in_dim3A_825 = vector.broadcast %jit3A_824 : i32 to vector<512x1024xi32>
    %select_n3A_826 = arith.select %le3A_822, %iota3A_823, %broadcast_in_dim3A_825 : vector<512x1024xi1>, vector<512x1024xi32>
    %reduce_min3A_827 = arith.constant dense<2147483647> : vector<512xi32>
    %reduce_min3A_828 = vector.multi_reduction <minsi>, %select_n3A_826, %reduce_min3A_827 [1] : vector<512x1024xi32> to vector<512xi32>
    %jit3A_829 = arith.constant 1.000000e+00 : f32
    %jit3A_830 = arith.constant 0.000000e+00 : f32
    %broadcast_in_dim3A_831 = vector.broadcast %jit3A_829 : f32 to vector<512x1024xf32>
    %broadcast_in_dim3A_832 = vector.broadcast %jit3A_830 : f32 to vector<512x1024xf32>
    %select_n3A_833 = arith.select %le3A_822, %broadcast_in_dim3A_831, %broadcast_in_dim3A_832 : vector<512x1024xi1>, vector<512x1024xf32>
    %dot_general3A_834 = arith.constant dense<0.000000e+00> : vector<1x1024xf32>
    %dot_general3A_835 = tpu.matmul %broadcast_in_dim3A_10, %select_n3A_833, %dot_general3A_834 {dimension_numbers = #tpu.dot_dimension_numbers<[1], [0], [0], [1], [0, 0, 1, 1], [], []>, transpose_lhs_hint = false} : vector<1x512xf32>, vector<512x1024xf32>, vector<1x1024xf32> -> vector<1x1024xf32>
    %add3A_836 = arith.addf %add3A_783, %dot_general3A_835 : vector<1x1024xf32>
    %reduce_sum3A_837 = vector.shape_cast %broadcast_in_dim3A_820 : vector<512x1xf32> to vector<1x512x1xf32>
    %reduce_sum3A_838 = arith.constant dense<0.000000e+00> : vector<1xf32>
    %reduce_sum3A_839 = vector.multi_reduction <add>, %reduce_sum3A_837, %reduce_sum3A_838 [1, 2] : vector<1x512x1xf32> to vector<1xf32>
    %reduce_sum3A_840 = vector.shape_cast %reduce_sum3A_839 : vector<1xf32> to vector<1x1x1xf32>
    %reduce_sum3A_841 = vector.extract %reduce_sum3A_840[0, 0, 0] : f32 from vector<1x1x1xf32>
    %reshape3A_842 = vector.broadcast %reduce_sum3A_841 : f32 to vector<1x1xf32>
    %add3A_843 = arith.addf %add3A_790, %reshape3A_842 : vector<1x1xf32>
    %broadcast_in_dim3A_844 = vector.shape_cast %reduce_min3A_828 : vector<512xi32> to vector<512x1xi32>
    %broadcast_in_dim3A_845 = vector.shape_cast %reduce_min3A_828 : vector<512xi32> to vector<512x1xi32>
    %add3A_846 = arith.constant 15360 : i32
    %add3A_847 = vector.broadcast %add3A_846 : i32 to vector<512x1xi32>
    %add3A_848 = arith.addi %broadcast_in_dim3A_845, %add3A_847 : vector<512x1xi32>
    %concatenate3A = tpu.concatenate %broadcast_in_dim3A_49, %broadcast_in_dim3A_102, %broadcast_in_dim3A_155, %broadcast_in_dim3A_208, %broadcast_in_dim3A_261, %broadcast_in_dim3A_314, %broadcast_in_dim3A_367, %broadcast_in_dim3A_420, %broadcast_in_dim3A_473, %broadcast_in_dim3A_526, %broadcast_in_dim3A_579, %broadcast_in_dim3A_632, %broadcast_in_dim3A_685, %broadcast_in_dim3A_738, %broadcast_in_dim3A_791, %broadcast_in_dim3A_844 in 1 : vector<512x1xi32>, vector<512x1xi32>, vector<512x1xi32>, vector<512x1xi32>, vector<512x1xi32>, vector<512x1xi32>, vector<512x1xi32>, vector<512x1xi32>, vector<512x1xi32>, vector<512x1xi32>, vector<512x1xi32>, vector<512x1xi32>, vector<512x1xi32>, vector<512x1xi32>, vector<512x1xi32>, vector<512x1xi32> -> vector<512x16xi32>
    %swap3A = arith.constant 0 : index
    %swap3A_849 = arith.constant 0 : index
    %swap3A_850 = vector.load %arg3[%swap3A, %swap3A_849] : memref<512x16xi32, #tpu.memory_space<vmem>>, vector<512x16xi32>
    tpu.vector_store %arg3[%swap3A, %swap3A_849], %concatenate3A {strides = array<i32>} : memref<512x16xi32, #tpu.memory_space<vmem>>, vector<512x16xi32>,
    %concatenate3A_851 = tpu.concatenate %add3A_53, %add3A_106, %add3A_159, %add3A_212, %add3A_265, %add3A_318, %add3A_371, %add3A_424, %add3A_477, %add3A_530, %add3A_583, %add3A_636, %add3A_689, %add3A_742, %add3A_795, %add3A_848 in 1 : vector<512x1xi32>, vector<512x1xi32>, vector<512x1xi32>, vector<512x1xi32>, vector<512x1xi32>, vector<512x1xi32>, vector<512x1xi32>, vector<512x1xi32>, vector<512x1xi32>, vector<512x1xi32>, vector<512x1xi32>, vector<512x1xi32>, vector<512x1xi32>, vector<512x1xi32>, vector<512x1xi32>, vector<512x1xi32> -> vector<512x16xi32>
    %swap3A_852 = arith.constant 0 : index
    %swap3A_853 = arith.constant 0 : index
    %swap3A_854 = vector.load %arg4[%swap3A_852, %swap3A_853] : memref<512x16xi32, #tpu.memory_space<vmem>>, vector<512x16xi32>
    tpu.vector_store %arg4[%swap3A_852, %swap3A_853], %concatenate3A_851 {strides = array<i32>} : memref<512x16xi32, #tpu.memory_space<vmem>>, vector<512x16xi32>,
    %get3A_855 = arith.constant 0 : index
    %get3A_856 = arith.constant 0 : index
    %get3A_857 = vector.load %arg11[%get3A_855, %get3A_856] : memref<1x1024xf32, #tpu.memory_space<vmem>>, vector<1x1024xf32>
    %add3A_858 = arith.addf %get3A_857, %add3A_836 : vector<1x1024xf32>
    %swap3A_859 = arith.constant 0 : index
    %swap3A_860 = arith.constant 0 : index
    %swap3A_861 = vector.load %arg11[%swap3A_859, %swap3A_860] : memref<1x1024xf32, #tpu.memory_space<vmem>>, vector<1x1024xf32>
    tpu.vector_store %arg11[%swap3A_859, %swap3A_860], %add3A_858 {strides = array<i32>} : memref<1x1024xf32, #tpu.memory_space<vmem>>, vector<1x1024xf32>,
    %get3A_862 = arith.constant 0 : index
    %get3A_863 = arith.constant 0 : index
    %get3A_864 = vector.load %arg10[%get3A_862, %get3A_863] : memref<1x1xf32, #tpu.memory_space<vmem>>, vector<1x1xf32>
    %add3A_865 = arith.addf %get3A_864, %add3A_843 : vector<1x1xf32>
    %swap3A_866 = arith.constant 0 : index
    %swap3A_867 = arith.constant 0 : index
    %swap3A_868 = vector.load %arg10[%swap3A_866, %swap3A_867] : memref<1x1xf32, #tpu.memory_space<vmem>>, vector<1x1xf32>
    tpu.vector_store %arg10[%swap3A_866, %swap3A_867], %add3A_865 {strides = array<i32>} : memref<1x1xf32, #tpu.memory_space<vmem>>, vector<1x1xf32>,
    %eq3A_869 = arith.constant 7 : i32
    %eq3A_870 = arith.cmpi eq, %arg0, %eq3A_869 : i32
    %convert_element_type3A_871 = arith.extui %eq3A_870 : i1 to i32
    %cond3A_872 = arith.constant 0 : i32
    %cond3A_873 = arith.cmpi ne, %convert_element_type3A_871, %cond3A_872 : i32
    scf.if %cond3A_873 {
      %get3A_874 = arith.constant 0 : index
      %get3A_875 = arith.constant 0 : index
      %get3A_876 = vector.load %arg10[%get3A_874, %get3A_875] : memref<1x1xf32, #tpu.memory_space<vmem>>, vector<1x1xf32>
      %div3A = arith.constant 1.000000e+00 : f32
      %div3A_877 = arith.constant 0x4A800000 : f32
      %div3A_878 = arith.divf %div3A, %div3A_877 : f32
      %mul3A_879 = vector.broadcast %div3A_878 : f32 to vector<1x1xf32>
      %mul3A_880 = arith.mulf %get3A_876, %mul3A_879 : vector<1x1xf32>
      %swap3A_881 = arith.constant 0 : index
      %swap3A_882 = arith.constant 0 : index
      %swap3A_883 = vector.load %arg5[%swap3A_881, %swap3A_882] : memref<1x1xf32, #tpu.memory_space<vmem>>, vector<1x1xf32>
      tpu.vector_store %arg5[%swap3A_881, %swap3A_882], %mul3A_880 {strides = array<i32>} : memref<1x1xf32, #tpu.memory_space<vmem>>, vector<1x1xf32>,
      %swap3A_884 = arith.constant 0 : index
      %swap3A_885 = arith.constant 0 : index
      %swap3A_886 = vector.load %arg6[%swap3A_884, %swap3A_885] : memref<1x1xf32, #tpu.memory_space<vmem>>, vector<1x1xf32>
      tpu.vector_store %arg6[%swap3A_884, %swap3A_885], %mul3A_880 {strides = array<i32>} : memref<1x1xf32, #tpu.memory_space<vmem>>, vector<1x1xf32>,
      %get3A_887 = arith.constant 0 : index
      %get3A_888 = arith.constant 0 : index
      %get3A_889 = vector.load %arg11[%get3A_887, %get3A_888] : memref<1x1024xf32, #tpu.memory_space<vmem>>, vector<1x1024xf32>
      %div3A_890 = arith.constant 1.000000e+00 : f32
      %div3A_891 = arith.constant 6.553600e+04 : f32
      %div3A_892 = arith.divf %div3A_890, %div3A_891 : f32
      %mul3A_893 = vector.broadcast %div3A_892 : f32 to vector<1x1024xf32>
      %mul3A_894 = arith.mulf %get3A_889, %mul3A_893 : vector<1x1024xf32>
      %add3A_895 = arith.constant 1.000000e-10 : f32
      %add3A_896 = vector.broadcast %add3A_895 : f32 to vector<1x1024xf32>
      %add3A_897 = arith.addf %mul3A_894, %add3A_896 : vector<1x1024xf32>
      %log3A = math.log %add3A_897 : vector<1x1024xf32>
      %mul3A_898 = arith.mulf %mul3A_894, %log3A : vector<1x1024xf32>
      %reduce_sum3A_899 = vector.shape_cast %mul3A_898 : vector<1x1024xf32> to vector<1x1x1024xf32>
      %reduce_sum3A_900 = arith.constant dense<0.000000e+00> : vector<1xf32>
      %reduce_sum3A_901 = vector.multi_reduction <add>, %reduce_sum3A_899, %reduce_sum3A_900 [1, 2] : vector<1x1x1024xf32> to vector<1xf32>
      %reduce_sum3A_902 = vector.shape_cast %reduce_sum3A_901 : vector<1xf32> to vector<1x1x1xf32>
      %reduce_sum3A_903 = vector.extract %reduce_sum3A_902[0, 0, 0] : f32 from vector<1x1x1xf32>
      %reshape3A_904 = vector.broadcast %reduce_sum3A_903 : f32 to vector<1x1xf32>
      %neg3A = arith.constant 0.000000e+00 : f32
      %neg3A_905 = vector.broadcast %neg3A : f32 to vector<1x1xf32>
      %neg3A_906 = arith.subf %neg3A_905, %reshape3A_904 : vector<1x1xf32>
      %swap3A_907 = arith.constant 0 : index
      %swap3A_908 = arith.constant 0 : index
      %swap3A_909 = vector.load %arg7[%swap3A_907, %swap3A_908] : memref<1x1xf32, #tpu.memory_space<vmem>>, vector<1x1xf32>
      tpu.vector_store %arg7[%swap3A_907, %swap3A_908], %neg3A_906 {strides = array<i32>} : memref<1x1xf32, #tpu.memory_space<vmem>>, vector<1x1xf32>,
      %exp3A = math.exp %neg3A_906 : vector<1x1xf32>
      %swap3A_910 = arith.constant 0 : index
      %swap3A_911 = arith.constant 0 : index
      %swap3A_912 = vector.load %arg8[%swap3A_910, %swap3A_911] : memref<1x1xf32, #tpu.memory_space<vmem>>, vector<1x1xf32>
      tpu.vector_store %arg8[%swap3A_910, %swap3A_911], %exp3A {strides = array<i32>} : memref<1x1xf32, #tpu.memory_space<vmem>>, vector<1x1xf32>,
    } else {
    }
    return
  }
  func.func @transform_0(%arg0: i32) -> (i32, i32) {
    %c0_i32 = arith.constant 0 : i32
    %c0_i32_0 = arith.constant 0 : i32
    return %arg0, %c0_i32 : i32, i32
  }
  func.func @transform_1(%arg0: i32) -> (i32, i32, i32) {
    %c0_i32 = arith.constant 0 : i32
    %c0_i32_0 = arith.constant 0 : i32
    %c0_i32_1 = arith.constant 0 : i32
    %c0_i32_2 = arith.constant 0 : i32
    return %c0_i32, %c0_i32_0, %c0_i32_1 : i32, i32, i32
  }
  func.func @transform_2(%arg0: i32) -> (i32, i32) {
    %c0_i32 = arith.constant 0 : i32
    %c0_i32_0 = arith.constant 0 : i32
    return %arg0, %c0_i32 : i32, i32
  }
  func.func @transform_3(%arg0: i32) -> (i32, i32) {
    %c0_i32 = arith.constant 0 : i32
    %c0_i32_0 = arith.constant 0 : i32
    return %arg0, %c0_i32 : i32, i32
  }
  func.func @transform_4(%arg0: i32) -> (i32, i32) {
    %c0_i32 = arith.constant 0 : i32
    %c0_i32_0 = arith.constant 0 : i32
    %c0_i32_1 = arith.constant 0 : i32
    return %c0_i32, %c0_i32_0 : i32, i32
  }
  func.func @transform_5(%arg0: i32) -> (i32, i32) {
    %c0_i32 = arith.constant 0 : i32
    %c0_i32_0 = arith.constant 0 : i32
    %c0_i32_1 = arith.constant 0 : i32
    return %c0_i32, %c0_i32_0 : i32, i32
  }
  func.func @transform_6(%arg0: i32) -> (i32, i32) {
    %c0_i32 = arith.constant 0 : i32
    %c0_i32_0 = arith.constant 0 : i32
    %c0_i32_1 = arith.constant 0 : i32
    return %c0_i32, %c0_i32_0 : i32, i32
  }
  func.func @transform_7(%arg0: i32) -> (i32, i32) {
    %c0_i32 = arith.constant 0 : i32
    %c0_i32_0 = arith.constant 0 : i32
    %c0_i32_1 = arith.constant 0 : i32
    return %c0_i32, %c0_i32_0 : i32, i32
  }
}

</mosaic_0001>

<sc_bundles>
// kernel: kernel.4.cloned.1.call-start
scs
__scs_entry_jumppad:
0x0: {  	(pc) =	sbr.rel $0x88, $3  }
0x1: {  	(tag) =	ssettag $0x0;
	lr =	simm.s32 $0x1  }
0x2: {  	[smem:$0x3F9F] =	sst lr;
	_ =	strace $0xD0000000  }
0x3: {  	_ = 	snop  }
0x4: {  	_ = 	snop  }
0x5: {  	_ = 	snop  }
0x6: {  	_ = 	snop  }
0x7: {  	_ = 	snop  }
__scs_overlays_trampoline_lowered:
0x8: {  	[smem:$0x3FAE] =	sst s0  }
0x9: {  	[smem:$0x3FAF] =	sst s1  }
0xa: {  	[smem:$0x3FB0] =	sst s2  }
0xb: {  	[smem:$0x3FB1] =	sst s3  }
0xc: {  	[smem:$0x3FB2] =	sst s4  }
0xd: {  	[smem:$0x3FB3] =	sst s5  }
0xe: {  	[smem:$0x3FB4] =	sst s6  }
0xf: {  	[smem:$0x3FB5] =	sst s7  }
0x10: {  	[smem:$0x3FB6] =	sst s8  }
0x11: {  	[smem:$0x3FB7] =	sst s9;
	s0 =	simm.s32 @!p0 $0x0  }
0x12: {  	s1 =	sld [smem:$0x3F9D];
	s0 =	simm.s32 @p0 $0x1  }
0x13: {  	[smem:$0x3FB8] =	sst s0;
	s0 =	simm.s32 @!p1 $0x0  }
0x14: {  	s2 =	sld [smem:$0x3F9C];
	s0 =	simm.s32 @p1 $0x1  }
0x15: {  	[smem:$0x3FB9] =	sst s0;
	s0 =	simm.s32 @!p2 $0x0  }
0x16: {  	s3 =	sld [smem:$0x3FDB];
	s0 =	simm.s32 @p2 $0x1  }
0x17: {  	s4 =	simm.s32 $0x1BF5;
	[smem:$0x3FBB] =	sst s0  }
0x18: {  	s0 =	sld [smem:$0x3F9E];
	_ =	swait.ge [sflag:s4], $0x0  }
0x19: {  	s7 =	sld [smem:$0x3F9F]  }
0x1a: {  	s8 =	sadd.s32 $0xFFFFE003, lr  }
0x1b: {  	s9 =	sadd.s32 $0xFFFFFEF7, lr;
	s5 =	simm.s32 $0xFFFFFFFF;
	p2 =	slt.u32 s8, $0xFFFFF086  }
0x1c: {  	p1 =	slt.u32 s9, $0xF7A;
	s5 =	simm.s32 @!p2 $0x0  }
0x1d: {  	s5 =	simm.s32 @p1 $0x1;
	p0 =	seq.s32 s7, s2  }
0x1e: {  	s7 =	smul.u32 @!p0 $0xF7A, s2;
	p2 =	seq.s32 @!p0 s5, $0x0  }
0x1f: {  	s9 =	smul.u32 $0xF7A, s1;
	s8 =	simm.s32 @!p0 $0x1BF5;
	p2 =	por !p2, p0  }
0x20: {  	[sflag:s8] =	ssyncset.s32 @!p0 $0xFFFFF086;
	s6 =	sadd.s32 @!p0 s3, s7;
	s7 =	simm.s32 @!p0 $0x108  }
0x21: {  	s3 =	sadd.s32 s3, s9;
	s6 =	sadd.s32 @!p0 $0x88, s6;
	s7 =	simm.s32 @p2 $0x1082  }
0x22: {  	[simem:s7], [sflag:s8] =	dma.local @!p0 [hbm:s6], $0xF7A  }
0x23: {  	s9 =	sor.u32 $0xD0000000, s2;
	s6 =	simm.s32 $0x108;
	_ =	swait.ge @!p0 [sflag:s8], $0x0  }
0x24: {  	s3 =	sadd.s32 $0x88, s3;
	s6 =	simm.s32 @!p1 $0x1082;
	[sflag:s4] =	ssyncset.s32 $0xFFFFF086  }
0x25: {  	[simem:s6], [sflag:s4] =	dma.local [hbm:s3], $0xF7A  }
0x26: {  	[smem:$0x3F9F] =	sst s1;
	(tag) =	ssettag s2;
	_ =	strace s9  }
0x27: {  	s1 =	sld [smem:$0x3FAF]  }
0x28: {  	s2 =	sld [smem:$0x3FB0]  }
0x29: {  	s4 =	sld [smem:$0x3FB2]  }
0x2a: {  	p0 =	seq.s32 s5, $0x0;
	s5 =	sld [smem:$0x3FB3]  }
0x2b: {  	s6 =	sld [smem:$0x3FB4]  }
0x2c: {  	s7 =	sld [smem:$0x3FB5]  }
0x2d: {  	s3 =	simm.s32 $0x108;
	s8 =	sld [smem:$0x3FB6]  }
0x2e: {  	s3 =	simm.s32 @!p0 $0x1082;
	s9 =	sld [smem:$0x3FB7]  }
0x2f: {  	lr =	sadd.s32 s0, s3;
	s0 =	sld [smem:$0x3FAE]  }
0x30: {  	s3 =	sld [smem:$0x3FB1]  }
0x31: {  	[smem:$0x3FBA] =	sst s10  }
0x32: {  	s10 =	sld [smem:$0x3FB8];
	_ =	sdelay $0x3  }
0x33: {  	p0 =	seq.s32 s10, $0x1;
	s10 =	sld [smem:$0x3FBA];
	_ =	sdelay $0x3  }
0x34: {  	[smem:$0x3FBA] =	sst s10  }
0x35: {  	s10 =	sld [smem:$0x3FB9];
	_ =	sdelay $0x3  }
0x36: {  	p1 =	seq.s32 s10, $0x1;
	s10 =	sld [smem:$0x3FBA];
	_ =	sdelay $0x3  }
0x37: {  	[smem:$0x3FBA] =	sst s10  }
0x38: {  	s10 =	sld [smem:$0x3FBB]  }
0x39: {  	_ = 	snop;
	(pc) =	sbr.ind lr, $3  }
0x3a: {  	_ = 	snop  }
0x3b: {  	_ = 	snop  }
0x3c: {  	p2 =	seq.s32 s10, $0x1;
	s10 =	sld [smem:$0x3FBA]  }
0x3d: {  	_ =	shalt  }
0x3e: {  	_ =	shalt  }
0x3f: {  	_ =	shalt  }
0x40: {  	_ =	shalt  }
0x41: {  	_ =	shalt  }
0x42: {  	_ =	shalt  }
0x43: {  	_ =	shalt  }
0x44: {  	_ =	shalt  }
0x45: {  	_ =	shalt  }
0x46: {  	_ =	shalt  }
0x47: {  	_ =	shalt  }
0x48: {  	_ =	shalt  }
0x49: {  	_ =	shalt  }
0x4a: {  	_ =	shalt  }
0x4b: {  	_ =	shalt  }
0x4c: {  	_ =	shalt  }
0x4d: {  	_ =	shalt  }
0x4e: {  	_ =	shalt  }
0x4f: {  	_ =	shalt  }
0x50: {  	_ =	shalt  }
0x51: {  	_ =	shalt  }
0x52: {  	_ =	shalt  }
0x53: {  	_ =	shalt  }
0x54: {  	_ =	shalt  }
0x55: {  	_ =	shalt  }
0x56: {  	_ =	shalt  }
0x57: {  	_ =	shalt  }
0x58: {  	_ =	shalt  }
0x59: {  	_ =	shalt  }
0x5a: {  	_ =	shalt  }
0x5b: {  	_ =	shalt  }
0x5c: {  	_ =	shalt  }
0x5d: {  	_ =	shalt  }
0x5e: {  	_ =	shalt  }
0x5f: {  	_ =	shalt  }
0x60: {  	_ =	shalt  }
0x61: {  	_ =	shalt  }
0x62: {  	_ =	shalt  }
0x63: {  	_ =	shalt  }
0x64: {  	_ =	shalt  }
0x65: {  	_ =	shalt  }
0x66: {  	_ =	shalt  }
0x67: {  	_ =	shalt  }
0x68: {  	_ =	shalt  }
0x69: {  	_ =	shalt  }
0x6a: {  	_ =	shalt  }
0x6b: {  	_ =	shalt  }
0x6c: {  	_ =	shalt  }
0x6d: {  	_ =	shalt  }
0x6e: {  	_ =	shalt  }
0x6f: {  	_ =	shalt  }
0x70: {  	_ =	shalt  }
0x71: {  	_ =	shalt  }
0x72: {  	_ =	shalt  }
0x73: {  	_ =	shalt  }
0x74: {  	_ =	shalt  }
0x75: {  	_ =	shalt  }
0x76: {  	_ =	shalt  }
0x77: {  	_ =	shalt  }
0x78: {  	_ =	shalt  }
0x79: {  	_ =	shalt  }
0x7a: {  	_ =	shalt  }
0x7b: {  	_ =	shalt  }
0x7c: {  	_ =	shalt  }
0x7d: {  	_ =	shalt  }
0x7e: {  	_ =	shalt  }
0x7f: {  	_ =	shalt  }
0x80: {  	_ =	shalt  }
0x81: {  	_ =	shalt  }
0x82: {  	_ =	shalt  }
0x83: {  	_ =	shalt  }
0x84: {  	_ =	shalt  }
0x85: {  	_ =	shalt  }
0x86: {  	_ =	shalt  }
0x87: {  	_ =	shalt  }
.Lfunc_end0:
.L_simem_size_0:
called_computation_lowered:
.L_overlay_start_0:
0x88: {  	s2 =	sld [smem:$0x3FD9]  }
0x89: {  	s3 =	sld [smem:$0x3FFE];
	_ =	sdelay $0x1  }
0x8a: {  	s1 =	srdreg.scid  }
0x8b: {  	s0 =	sand.u32 $0x1, s1  }
0x8c: {  	s14 =	sshll.u32 s0, $0xA;
	s2 =	sadd.s32 s3, s2  }
0x8d: {  	s2 =	sadd.s32 s2, s14  }
0x8e: {  	[smem:$0x3FC6] =	sst s2  }
0x8f: {  	_ = 	snop  }
0x90: {  	s2 =	sld [smem:$0x3FD0];
	_ =	sdelay $0x2  }
0x91: {  	s15 =	simm.s32 $0xA;
	s4 =	simm.s32 $0x10  }
0x92: {  	[smem:s4], [sflag:s15] =	dma.local [hbm:s2], $0x1  }
0x93: {  	_ =	swait.eq [sflag:s15], $0x1  }
0x94: {  	[sflag:s15] =	ssyncset.done $0x0  }
0x95: {  	[sflag:s15] =	ssyncadd.s32 $0xFFFFFFFF  }
0x96: {  	s16 =	sld [smem:$0x10];
	(tm) =	ssettm $0x1  }
0x97: {  	s17 =	sld [smem:$0x3FFB];
	_ =	sdelay $0x3  }
0x98: {  	_ =	strace s17  }
0x99: {  	s3 =	sld [smem:$0x3FFC];
	_ =	sdelay $0x3  }
0x9a: {  	_ =	strace s3  }
0x9b: {  	s3 =	sld [smem:$0x3FFD];
	_ =	sdelay $0x3  }
0x9c: {  	_ =	strace s3  }
0x9d: {  	_ =	strace $0x8FFFFFFF  }
0x9e: {  	s18 =	sld [smem:$0x3FDB];
	_ =	sdelay $0x1  }
0x9f: {  	s19 =	simm.s32 $_scs_section_size  }
0xa0: {  	s5 =	simm.s32 $_size__tile_overlayer_lowered;
	s6 =	simm.s32 $_tile_overlayer_lowered  }
0xa1: {  	s22 =	simm.s32 $0x1BFF;
	s21 =	sshll.u32 s6, $0x1;
	s3 =	sadd.s32 s19, s18  }
0xa2: {  	s7 =	simm.s32 $0x0;
	s20 =	sshll.u32 s5, $0x1;
	s5 =	sadd.s32 s21, s3  }
0xa3: {  	[timem:s7], [sflag:s22] =	dma.local [hbm:s5], s20  }
0xa4: {  	_ =	swait.ge [sflag:s22], s20  }
0xa5: {  	s4 =	ssub.s32 $0x0, s20;
	[sflag:s22] =	ssyncset.done $0x0  }
0xa6: {  	[sflag:s22] =	ssyncadd.s32 s4;
	_ =	sdelay $0x1  }
0xa7: {  	s23 =	simm.s32 $0x1B8B  }
0xa8: {  	_ =	swait.ge [sflag:s23], $0x1  }
0xa9: {  	[sflag:s23] =	ssyncset.done $0x0  }
0xaa: {  	s25 =	simm.s32 $0x1B8E;
	s24 =	sld [smem:$0x3FFE];
	[sflag:s23] =	ssyncadd.s32 $0xFFFFFFFF  }
0xab: {  	s26 =	simm.s32 $execute0_lowered;
	[smem:$0x3FD2] =	sst s25  }
0xac: {  	s5 =	sshll.u32 s26, $0x1;
	_ =	strace $0x80000046;
	[dreg:$0x1] =	wrdreg $0xFFFFFFFF  }
0xad: {  	s28 =	simm.s32 $_size_execute0_lowered;
	s3 =	sadd.s32 s3, s5;
	[dreg:$0x0] =	wrdreg $0x0  }
0xae: {  	s5 =	sshll.u32 s28, $0x1;
	[dreg:$0x2] =	wrdreg s3  }
0xaf: {  	[dreg:$0x3] =	wrdreg s5  }
0xb0: {  	[dreg:$0x4] =	wrdreg $0xC0  }
0xb1: {  	_ =	task [dreg:s7], $0x5FFFF  }
0xb2: {  	[dreg:$0x1] =	wrdreg $0xFFFFFFFF  }
0xb3: {  	[dreg:$0x0] =	wrdreg $0x60  }
0xb4: {  	[dreg:$0x2] =	wrdreg s16  }
0xb5: {  	[dreg:$0x3] =	wrdreg s24  }
0xb6: {  	[dreg:$0x4] =	wrdreg $0x9  }
0xb7: {  	_ =	task.clear_ibuf [dreg:s7], $0x5FFFF;
	_ =	strace $0x90000046  }
0xb8: {  	s29 =	simm.s32 $0x9;
	_ =	strace $0x80000048  }
0xb9: {  	_ =	swait.ge [sflag:s29], $0x1  }
0xba: {  	[sflag:s29] =	ssyncadd.s32 $0xFFFFFFFF  }
0xbb: {  	_ =	strace $0x90000048  }
0xbc: {  	_ =	sfence  }
0xbd: {  	s30 =	sld [smem:$0x0];
	_ =	sdelay $0x2  }
0xbe: {  	s31 =	sshll.u32 s1, $0xD;
	s1 =	sshrl.u32 s1, $0x2  }
0xbf: {  	s3 =	sand.u32 $0x4000, s31;
	s1 =	sadd.s32 s1, s30  }
0xc0: {  	s0 =	sor.u32 s3, s0;
	s1 =	sshll.u32 s1, $0x11  }
0xc1: {  	s0 =	sor.u32 s1, s0  }
0xc2: {  	s0 =	sadd.s32 $0x8F2B, s0  }
0xc3: {  	[sflag:s0] =	ssyncadd.remote.s32 $0x1  }
0xc4: {  	_ =	sfence.sel $0xFFFF  }
0xc5: {  	[dreg:$0x0] =	wrdreg $0xFFFFFFFF;
	(pc) =	sbr.abs _section_cstart, $3  }
0xc6: {  	[dreg:$0x1] =	wrdreg $0xFFFFFFFF  }
0xc7: {  	_ =	task.clear_ibuf [dreg:s7], $0x2FFFF;
	_ =	strace $0x9FFFFFFF  }
0xc8: {  	(tm) =	ssettm $0x7FFFFFFF  }
0xc9: {  	_ =	shalt  }
tec
execute0_lowered:
.L_overlay_start_1:
0x0: {  	(tag) =	ssettag $0x1  }
0x1: {  	s1 =	srdreg.scid  }
0x2: {  	s0 =	stileid.u32;
	s16 =	sand.u32 $0x1, s1  }
0x3: {  	s30 =	sshll.u32 s0, $0xC;
	s3 =	sshll.u32 s16, $0xB  }
0x4: {  	s2 =	rddreg [dreg:$0x0];
	s10 =	sor.u32 s3, s30  }
0x5: {  	s9 =	rddreg [dreg:$0x1];
	s3 =	simm.s32 $0x0;
	s4 =	sshrl.u32 s10, $0x3  }
0x6: {  	s5 =	simm.s32 $0x3;
	[smem:$0x7FF] =	sst s3;
	s4 =	sadd.s32 s4, s9  }
0x7: {  	s1 =	rddreg [dreg:$0x2];
	_ =	strace $0x80000047;
	s4 =	sadd.s32 $0x600, s4  }
0x8: {  	[tilespmem:s3], [sflag:$0x3] =	stream.linear.gather [hbm4b:s4+s3], $0x800, $0x38;
	[tilespmem:$0x10800] =	vst v63  }
0x9: {  	_ =	swait.ge [sflag:s5], $0x800  }
0xa: {  	s6 =	simm.s32 $0x200;
	[sflag:s5] =	ssyncset.done $0x0  }
0xb: {  	s7 =	simm.s32 $0x800;
	s8 =	simm.s32 $0x1;
	[sflag:s5] =	ssyncadd.s32 $0xFFFFF800  }
0xc: {  	[tilespmem:s7], [sflag:$0x1] =	stream.indirect.gather [hbm4b:s2+s6], $0x40, s3, s6, $0xb8;
	[tilespmem:$0x10800] =	vst v63  }
0xd: {  	s10 =	sshll.u32 s10, $0x3;
	_ =	swait.ge [sflag:s8], $0x8000  }
0xe: {  	s17 =	sadd.s32 s10, s9;
	[sflag:s8] =	ssyncset.done $0x0  }
0xf: {  	s9 =	sadd.s32 $0x2600, s17;
	[sflag:s8] =	ssyncadd.s32 $0xFFFF8000  }
0x10: {  	[hbm4b:s9+s3] =	stream.linear.scatter [tilespmem:s7], [sflag:$0x2], $0x8000, $0x38;
	[tilespmem:$0x10800] =	vst v63  }
0x11: {  	s10 =	simm.s32 $0x8800  }
0x12: {  	[tilespmem:s10], [sflag:$0x1] =	stream.indirect.gather [hbm4b:s2+s6], $0x40, s6, s6, $0xb8;
	[tilespmem:$0x10800] =	vst v63  }
0x13: {  	_ =	swait.ge [sflag:s8], $0x8000  }
0x14: {  	[sflag:s8] =	ssyncset.done $0x0  }
0x15: {  	s11 =	simm.s32 $0x2;
	[sflag:s8] =	ssyncadd.s32 $0xFFFF8000  }
0x16: {  	_ =	swait.ge [sflag:s11], $0x8000  }
0x17: {  	[sflag:s11] =	ssyncset.done $0x0  }
0x18: {  	s12 =	sadd.s32 $0x3600, s17;
	[sflag:s11] =	ssyncadd.s32 $0xFFFF8000  }
0x19: {  	[hbm4b:s12+s3] =	stream.linear.scatter [tilespmem:s10], [sflag:$0x2], $0x8000, $0x38;
	[tilespmem:$0x10800] =	vst v63  }
0x1a: {  	s13 =	simm.s32 $0x400  }
0x1b: {  	[tilespmem:s7], [sflag:$0x1] =	stream.indirect.gather [hbm4b:s2+s6], $0x40, s13, s6, $0xb8;
	[tilespmem:$0x10800] =	vst v63  }
0x1c: {  	_ =	swait.ge [sflag:s8], $0x8000  }
0x1d: {  	[sflag:s8] =	ssyncset.done $0x0  }
0x1e: {  	[sflag:s8] =	ssyncadd.s32 $0xFFFF8000  }
0x1f: {  	_ =	swait.ge [sflag:s11], $0x8000  }
0x20: {  	[sflag:s11] =	ssyncset.done $0x0  }
0x21: {  	s14 =	sadd.s32 $0x4600, s17;
	[sflag:s11] =	ssyncadd.s32 $0xFFFF8000  }
0x22: {  	[hbm4b:s14+s3] =	stream.linear.scatter [tilespmem:s7], [sflag:$0x2], $0x8000, $0x38;
	[tilespmem:$0x10800] =	vst v63  }
0x23: {  	s15 =	simm.s32 $0x600;
	s16 =	ssub.s32 $0x2, s16  }
0x24: {  	[tilespmem:s10], [sflag:$0x1] =	stream.indirect.gather [hbm4b:s2+s6], $0x40, s15, s6, $0xb8;
	[tilespmem:$0x10800] =	vst v63  }
0x25: {  	s18 =	sshrl.u32 s16, $0x1;
	_ =	swait.ge [sflag:s8], $0x8000  }
0x26: {  	s18 =	ssub.s32 s16, s18;
	[sflag:s8] =	ssyncset.done $0x0  }
0x27: {  	s31 =	smax.u32 s18, $0x1;
	[sflag:s8] =	ssyncadd.s32 $0xFFFF8000  }
0x28: {  	p0 =	sne.s32 s31, $0x1;
	_ =	swait.ge [sflag:s11], $0x8000  }
.Ltmp0:
0x29: {  	[sflag:s11] =	ssyncset.done $0x0;
	(pc) =	sbr.rel @!p0 .LBB2_2-.Ltmp0, $4  }
0x2a: {  	s16 =	sadd.s32 $0x5600, s17;
	[sflag:s11] =	ssyncadd.s32 $0xFFFF8000  }
0x2b: {  	[hbm4b:s16+s3] =	stream.linear.scatter [tilespmem:s10], [sflag:$0x2], $0x8000, $0x38;
	[tilespmem:$0x10800] =	vst v63  }
0x2c: {  	_ =	swait.ge [sflag:s11], $0x8000  }
0x2d: {  	s17 =	sadd.s32 $0xFFFFFFFF, s31;
	[sflag:s11] =	ssyncset.done $0x0  }
.LBB2_1:
0x2e: {  	p0 =	sne.s32 s17, $0x1;
	s17 =	sadd.s32 $0xFFFFFFFF, s17;
	[sflag:s11] =	ssyncadd.s32 $0xFFFF8000  }
0x2f: {  	[tilespmem:s3], [sflag:$0x3] =	stream.linear.gather [hbm4b:s4+s3], $0x800, $0x38;
	[tilespmem:$0x10800] =	vst v63  }
0x30: {  	_ =	swait.ge [sflag:s5], $0x800  }
0x31: {  	[sflag:s5] =	ssyncset.done $0x0  }
0x32: {  	[sflag:s5] =	ssyncadd.s32 $0xFFFFF800  }
0x33: {  	[tilespmem:s7], [sflag:$0x1] =	stream.indirect.gather [hbm4b:s2+s6], $0x40, s3, s6, $0xb8;
	[tilespmem:$0x10800] =	vst v63  }
0x34: {  	_ =	swait.ge [sflag:s8], $0x8000  }
0x35: {  	[sflag:s8] =	ssyncset.done $0x0  }
0x36: {  	[sflag:s8] =	ssyncadd.s32 $0xFFFF8000  }
0x37: {  	[hbm4b:s9+s3] =	stream.linear.scatter [tilespmem:s7], [sflag:$0x2], $0x8000, $0x38;
	[tilespmem:$0x10800] =	vst v63  }
0x38: {  	_ = 	snop  }
0x39: {  	[tilespmem:s10], [sflag:$0x1] =	stream.indirect.gather [hbm4b:s2+s6], $0x40, s6, s6, $0xb8;
	[tilespmem:$0x10800] =	vst v63  }
0x3a: {  	_ =	swait.ge [sflag:s8], $0x8000  }
0x3b: {  	[sflag:s8] =	ssyncset.done $0x0  }
0x3c: {  	[sflag:s8] =	ssyncadd.s32 $0xFFFF8000  }
0x3d: {  	_ =	swait.ge [sflag:s11], $0x8000  }
0x3e: {  	[sflag:s11] =	ssyncset.done $0x0  }
0x3f: {  	[sflag:s11] =	ssyncadd.s32 $0xFFFF8000  }
0x40: {  	[hbm4b:s12+s3] =	stream.linear.scatter [tilespmem:s10], [sflag:$0x2], $0x8000, $0x38;
	[tilespmem:$0x10800] =	vst v63  }
0x41: {  	_ = 	snop  }
0x42: {  	[tilespmem:s7], [sflag:$0x1] =	stream.indirect.gather [hbm4b:s2+s6], $0x40, s13, s6, $0xb8;
	[tilespmem:$0x10800] =	vst v63  }
0x43: {  	_ =	swait.ge [sflag:s8], $0x8000  }
0x44: {  	[sflag:s8] =	ssyncset.done $0x0  }
0x45: {  	[sflag:s8] =	ssyncadd.s32 $0xFFFF8000  }
0x46: {  	_ =	swait.ge [sflag:s11], $0x8000  }
0x47: {  	[sflag:s11] =	ssyncset.done $0x0  }
0x48: {  	[sflag:s11] =	ssyncadd.s32 $0xFFFF8000  }
0x49: {  	[hbm4b:s14+s3] =	stream.linear.scatter [tilespmem:s7], [sflag:$0x2], $0x8000, $0x38;
	[tilespmem:$0x10800] =	vst v63  }
0x4a: {  	_ = 	snop  }
0x4b: {  	[tilespmem:s10], [sflag:$0x1] =	stream.indirect.gather [hbm4b:s2+s6], $0x40, s15, s6, $0xb8;
	[tilespmem:$0x10800] =	vst v63  }
0x4c: {  	_ =	swait.ge [sflag:s8], $0x8000  }
0x4d: {  	[sflag:s8] =	ssyncset.done $0x0  }
0x4e: {  	[sflag:s8] =	ssyncadd.s32 $0xFFFF8000  }
0x4f: {  	_ =	swait.ge [sflag:s11], $0x8000  }
.Ltmp1:
0x50: {  	[sflag:s11] =	ssyncset.done $0x0;
	(pc) =	sbr.rel @p0 .LBB2_1-.Ltmp1, $4  }
0x51: {  	[sflag:s11] =	ssyncadd.s32 $0xFFFF8000  }
0x52: {  	[hbm4b:s16+s3] =	stream.linear.scatter [tilespmem:s10], [sflag:$0x2], $0x8000, $0x38;
	[tilespmem:$0x10800] =	vst v63  }
0x53: {  	_ =	swait.ge [sflag:s11], $0x8000  }
0x54: {  	[sflag:s11] =	ssyncset.done $0x0  }
.LBB2_2:
0x55: {  	[sflag:s11] =	ssyncadd.s32 $0xFFFF8000  }
0x56: {  	_ =	sfence.sel $0x180000  }
0x57: {  	[bflag:$0x0] =	sbarrier.arrive $0xFFFF  }
0x58: {  	p0 =	sne.s32 s0, $0x0;
	_ =	strace $0x90000047  }
0x59: {  	s0 =	sadd.s32 @!p0 $0x100000, s1;
	[bflag:$0x2] =	sbarrier.arrive $0xFFFF  }
0x5a: {  	[sflag:s0] =	ssyncadd.tile.s32 @!p0 $0x1;
	_ =	shalt  }
.Lfunc_end2:
_tile_overlayer_lowered:
.L_overlay_start_2:
0x5b: {  	(tag) =	ssettag $0x2  }
0x5c: {  	s0 =	rddreg [dreg:$0x0];
	s2 =	stileid.u32  }
0x5d: {  	s1 =	rddreg [dreg:$0x1];
	p0 =	sne.s32 s2, $0x0  }
0x5e: {  	s3 =	rddreg [dreg:$0x2];
	[bflag:$0x3] =	sbarrier.arrive $0xFFFF;
	s2 =	simm.s32 @!p0 $0x1C03  }
0x5f: {  	[timem:s3], [sflag:s2] =	dma.local @!p0 [hbm:s0], s1  }
0x60: {  	s0 =	simm.s32 @!p0 $0x3  }
0x61: {  	_ =	swait.ge @!p0 [sflag:s0], s1  }
0x62: {  	s1 =	ssub.s32 @!p0 $0x0, s1;
	[sflag:s0] =	ssyncset.done @!p0 $0x0  }
0x63: {  	[sflag:s0] =	ssyncadd.s32 @!p0 s1  }
0x64: {  	[bflag:$0x3] =	sbarrier.arrive $0xFFFF  }
0x65: {  	_ =	shalt  }

</sc_bundles>
